<compile_context>
chip_gen: v7x
topology: tpu7x:2x2x1
jax: 0.10.2.dev20260603
libtpu: 0.0.44.dev20260713+nightly
codegen_flags: <defaults>
</compile_context>

<pallas_src>
import functools

import jax
import jax.numpy as jnp
from jax import lax
from jax.experimental import pallas as pl
from jax.experimental.pallas import tpu as pltpu
from jax.experimental.pallas import tpu_sc as plsc

N_ATOMS = 10000
N_CG = 1000
N_EDGES = 160000
FEAT = 128
N_RBF = 20
N_CONV = 3
CUTOFF = 5.0
CG_CUTOFF = 20.0

XDIM = N_RBF + 1
XPAD = 24

_ATOM_BLK = 2048


def _swish(x):
    return x * jax.nn.sigmoid(x)


def _phi_body(h_ref, w1_ref, b1_ref, w2_ref, b2_ref, out_ref):
    t = jnp.dot(h_ref[...], w1_ref[...], preferred_element_type=jnp.float32)
    t = t + b1_ref[...]
    t = _swish(t)
    out_ref[...] = jnp.dot(t, w2_ref[...], preferred_element_type=jnp.float32) + b2_ref[...]


@jax.jit
def _phi_call(h, w1, b1, w2, b2):
    n = h.shape[0]
    grid = (n // _ATOM_BLK,)
    return pl.pallas_call(
        _phi_body,
        grid=grid,
        in_specs=[
            pl.BlockSpec((_ATOM_BLK, FEAT), lambda i: (i, 0)),
            pl.BlockSpec((FEAT, FEAT), lambda i: (0, 0)),
            pl.BlockSpec((1, FEAT), lambda i: (0, 0)),
            pl.BlockSpec((FEAT, FEAT), lambda i: (0, 0)),
            pl.BlockSpec((1, FEAT), lambda i: (0, 0)),
        ],
        out_specs=pl.BlockSpec((_ATOM_BLK, FEAT), lambda i: (i, 0)),
        out_shape=jax.ShapeDtypeStruct((n, FEAT), jnp.float32),
    )(h, w1, b1, w2, b2)


def _contract_body(h_ref, p0_ref, p1_ref, w1_ref, b1_ref, w2_ref, b2_ref,
                   xt_ref, waug_ref, hnew_ref, out_ref):
    hn = h_ref[...] + p0_ref[0] + p1_ref[0]
    hnew_ref[...] = hn
    t = jnp.dot(hn, w1_ref[...], preferred_element_type=jnp.float32)
    t = t + b1_ref[...]
    t = _swish(t)
    phi = jnp.dot(t, w2_ref[...], preferred_element_type=jnp.float32) + b2_ref[...]
    w = lax.dot_general(xt_ref[...], waug_ref[...], (((0,), (0,)), ((), ())),
                        preferred_element_type=jnp.float32)
    out_ref[...] = phi * w


@jax.jit
def _contract_call(h, dsp, w1, b1, w2, b2, xt_c, waug):
    n = h.shape[0]
    grid = (n // _ATOM_BLK,)
    return pl.pallas_call(
        _contract_body,
        grid=grid,
        in_specs=[
            pl.BlockSpec((_ATOM_BLK, FEAT), lambda i: (i, 0)),
            pl.BlockSpec((1, _ATOM_BLK, FEAT), lambda i: (0, i, 0)),
            pl.BlockSpec((1, _ATOM_BLK, FEAT), lambda i: (1, i, 0)),
            pl.BlockSpec((FEAT, FEAT), lambda i: (0, 0)),
            pl.BlockSpec((1, FEAT), lambda i: (0, 0)),
            pl.BlockSpec((FEAT, FEAT), lambda i: (0, 0)),
            pl.BlockSpec((1, FEAT), lambda i: (0, 0)),
            pl.BlockSpec((XPAD, _ATOM_BLK), lambda i: (0, i)),
            pl.BlockSpec((XPAD, FEAT), lambda i: (0, 0)),
        ],
        out_specs=[
            pl.BlockSpec((_ATOM_BLK, FEAT), lambda i: (i, 0)),
            pl.BlockSpec((_ATOM_BLK, FEAT), lambda i: (i, 0)),
        ],
        out_shape=[
            jax.ShapeDtypeStruct((n, FEAT), jnp.float32),
            jax.ShapeDtypeStruct((n, FEAT), jnp.float32),
        ],
    )(h, dsp, dsp, w1, b1, w2, b2, xt_c, waug)


_NC = 2
_NS = 16
_NW = _NC * _NS
_EC = 64
_NBUF = 2
_ECHUNKS = N_EDGES // _EC
_ROWS_PER_TILE = 10240 // _NS


def _edge_sc_body(phi_hbm, w_hbm, n0_hbm, n1_hbm, out_hbm,
                  acc, idx0_v, idx1_v, sidx_v, w_v, g_v,
                  sem_in0, sem_in1, sem_s0, sem_s1):
    c = lax.axis_index("c")
    s = lax.axis_index("s")
    wid = s * _NC + c

    def _zfill(r, carry):
        for k in range(8):
            w_v[0, r, pl.ds(k * 16, 16)] = jnp.zeros((16,), jnp.float32)
        return carry
    lax.fori_loop(0, _EC, _zfill, 0)
    base_r = s * _ROWS_PER_TILE
    for k in range(_ROWS_PER_TILE // _EC):
        pltpu.sync_copy(w_v.at[0], acc.at[pl.ds(base_r + k * _EC, _EC), :])
    plsc.subcore_barrier()

    nch = jnp.where(wid < _ECHUNKS - (_ECHUNKS // _NW) * _NW,
                    _ECHUNKS // _NW + 1, _ECHUNKS // _NW)
    sem_in = (sem_in0, sem_in1)
    sem_s = (sem_s0, sem_s1)

    def _issue_inputs(jj, b):
        base = (jj * _NW + wid) * _EC
        pltpu.async_copy(n0_hbm.at[pl.ds(base, _EC)], idx0_v.at[b], sem_in[b])
        pltpu.async_copy(n1_hbm.at[pl.ds(base, _EC)], idx1_v.at[b], sem_in[b])
        pltpu.async_copy(w_hbm.at[pl.ds(base, _EC), :], w_v.at[b], sem_in[b])

    def _wait_inputs(jj, b):
        base = (jj * _NW + wid) * _EC
        pltpu.make_async_copy(n0_hbm.at[pl.ds(base, _EC)], idx0_v.at[b], sem_in[b]).wait()
        pltpu.make_async_copy(n1_hbm.at[pl.ds(base, _EC)], idx1_v.at[b], sem_in[b]).wait()
        pltpu.make_async_copy(w_hbm.at[pl.ds(base, _EC), :], w_v.at[b], sem_in[b]).wait()

    def _wait_scatter(b):
        pltpu.make_async_copy(g_v.at[b], acc.at[sidx_v.at[b]], sem_s[b]).wait()

    for b in range(_NBUF):
        _issue_inputs(b, b)

    def _step(t, carry):
        for b in range(_NBUF):
            jj = _NBUF * t + b

            @pl.when(jj < nch)
            def _do():
                @pl.when(t > 0)
                def _drain():
                    _wait_scatter(b)
                _wait_inputs(jj, b)
                pltpu.sync_copy(phi_hbm.at[idx1_v.at[b]], g_v.at[b])

                def _mul(r, inner):
                    for k in range(8):
                        sl = pl.ds(k * 16, 16)
                        g_v[b, r, sl] = g_v[b, r, sl] * w_v[b, r, sl]
                    return inner
                lax.fori_loop(0, _EC, _mul, 0)

                def _cpidx(k, inner):
                    sl = pl.ds(k * 16, 16)
                    sidx_v[b, sl] = idx0_v[b, sl]
                    return inner
                lax.fori_loop(0, 8, _cpidx, 0)
                pltpu.async_copy(g_v.at[b], acc.at[sidx_v.at[b]], sem_s[b], add=True)

                @pl.when(jj + _NBUF < nch)
                def _prefetch():
                    _issue_inputs(jj + _NBUF, b)
        return carry
    lax.fori_loop(0, (_ECHUNKS // _NW + _NBUF) // _NBUF, _step, 0)
    for b in range(_NBUF):
        _wait_scatter(b)
    plsc.subcore_barrier()
    pltpu.sync_copy(acc.at[pl.ds(base_r, _ROWS_PER_TILE), :],
                    out_hbm.at[c, pl.ds(base_r, _ROWS_PER_TILE), :])


@jax.jit
def _edge_sc_call(phi, w_e, nbr0, nbr1):
    return pl.kernel(
        _edge_sc_body,
        out_type=jax.ShapeDtypeStruct((_NC, 10240, FEAT), jnp.float32),
        mesh=plsc.VectorSubcoreMesh(core_axis_name="c", subcore_axis_name="s"),
        scratch_types=[
            pltpu.VMEM_SHARED((10240, FEAT), jnp.float32),
            pltpu.VMEM((_NBUF, _EC), jnp.int32),
            pltpu.VMEM((_NBUF, _EC), jnp.int32),
            pltpu.VMEM((_NBUF, _EC), jnp.int32),
            pltpu.VMEM((_NBUF, _EC, FEAT), jnp.float32),
            pltpu.VMEM((_NBUF, _EC, FEAT), jnp.float32),
            pltpu.SemaphoreType.DMA,
            pltpu.SemaphoreType.DMA,
            pltpu.SemaphoreType.DMA,
            pltpu.SemaphoreType.DMA,
        ],
    )(phi, w_e, nbr0, nbr1)


_APAD = 10240
_CGPAD = 1024
_CROWS = _APAD // _NW


def _cg_zero_flush(c, s, accs, buf, outs):
    def _zfill(r, carry):
        for k in range(8):
            buf[r, pl.ds(k * 16, 16)] = jnp.zeros((16,), jnp.float32)
        return carry
    lax.fori_loop(0, 64, _zfill, 0)
    for acc in accs:
        w = acc.shape[1]
        pltpu.sync_copy(buf.at[pl.ds(0, 64), pl.ds(0, w)], acc.at[pl.ds(s * 64, 64), :])


def _contract_sc_body(sc_hbm, map_hbm, out_hbm, acc, idxA, idxB, buf):
    c = lax.axis_index("c")
    s = lax.axis_index("s")
    wid = s * _NC + c
    _cg_zero_flush(c, s, [acc], buf, None)
    plsc.subcore_barrier()
    base = wid * _CROWS
    for off in (0, 128):
        pltpu.sync_copy(map_hbm.at[pl.ds(base + off, 128)], idxA)
        pltpu.sync_copy(sc_hbm.at[pl.ds(base + off, 128), :], buf)
        pltpu.sync_copy(buf, acc.at[idxA], add=True)
    pltpu.sync_copy(map_hbm.at[pl.ds(base + 256, 64)], idxB)
    pltpu.sync_copy(sc_hbm.at[pl.ds(base + 256, 64), :], buf.at[pl.ds(0, 64), :])
    pltpu.sync_copy(buf.at[pl.ds(0, 64), :], acc.at[idxB], add=True)
    plsc.subcore_barrier()
    pltpu.sync_copy(acc.at[pl.ds(s * 64, 64), :], out_hbm.at[c, pl.ds(s * 64, 64), :])


@jax.jit
def _contract_sc_call(sc_pad, map_pad):
    return pl.kernel(
        _contract_sc_body,
        out_type=jax.ShapeDtypeStruct((_NC, _CGPAD, FEAT), jnp.float32),
        mesh=plsc.VectorSubcoreMesh(core_axis_name="c", subcore_axis_name="s"),
        scratch_types=[
            pltpu.VMEM_SHARED((_CGPAD, FEAT), jnp.float32),
            pltpu.VMEM((128,), jnp.int32),
            pltpu.VMEM((64,), jnp.int32),
            pltpu.VMEM((128, FEAT), jnp.float32),
        ],
    )(sc_pad, map_pad)


def _contract0_sc_body(sc_hbm, h_hbm, map_hbm, out_hbm, outsh_hbm, outcnt_hbm,
                       acc, accsh, acccnt, idxA, idxB, buf, ones_v):
    c = lax.axis_index("c")
    s = lax.axis_index("s")
    wid = s * _NC + c

    def _ofill(r, carry):
        for k in range(8):
            ones_v[r, pl.ds(k * 16, 16)] = jnp.full((16,), 1.0, jnp.float32)
        return carry
    lax.fori_loop(0, 128, _ofill, 0)
    _cg_zero_flush(c, s, [acc, accsh, acccnt], buf, None)
    plsc.subcore_barrier()
    base = wid * _CROWS
    for off in (0, 128):
        pltpu.sync_copy(map_hbm.at[pl.ds(base + off, 128)], idxA)
        pltpu.sync_copy(sc_hbm.at[pl.ds(base + off, 128), :], buf)
        pltpu.sync_copy(buf, acc.at[idxA], add=True)
        pltpu.sync_copy(h_hbm.at[pl.ds(base + off, 128), :], buf)
        pltpu.sync_copy(buf, accsh.at[idxA], add=True)
        pltpu.sync_copy(ones_v, acccnt.at[idxA], add=True)
    pltpu.sync_copy(map_hbm.at[pl.ds(base + 256, 64)], idxB)
    pltpu.sync_copy(sc_hbm.at[pl.ds(base + 256, 64), :], buf.at[pl.ds(0, 64), :])
    pltpu.sync_copy(buf.at[pl.ds(0, 64), :], acc.at[idxB], add=True)
    pltpu.sync_copy(h_hbm.at[pl.ds(base + 256, 64), :], buf.at[pl.ds(0, 64), :])
    pltpu.sync_copy(buf.at[pl.ds(0, 64), :], accsh.at[idxB], add=True)
    pltpu.sync_copy(ones_v.at[pl.ds(0, 64), :], acccnt.at[idxB], add=True)
    plsc.subcore_barrier()
    pltpu.sync_copy(acc.at[pl.ds(s * 64, 64), :], out_hbm.at[c, pl.ds(s * 64, 64), :])
    pltpu.sync_copy(accsh.at[pl.ds(s * 64, 64), :], outsh_hbm.at[c, pl.ds(s * 64, 64), :])
    pltpu.sync_copy(acccnt.at[pl.ds(s * 64, 64), :], outcnt_hbm.at[c, pl.ds(s * 64, 64), :])


@jax.jit
def _contract0_sc_call(sc_pad, h_pad, map_pad):
    return pl.kernel(
        _contract0_sc_body,
        out_type=(
            jax.ShapeDtypeStruct((_NC, _CGPAD, FEAT), jnp.float32),
            jax.ShapeDtypeStruct((_NC, _CGPAD, FEAT), jnp.float32),
            jax.ShapeDtypeStruct((_NC, _CGPAD, FEAT), jnp.float32),
        ),
        mesh=plsc.VectorSubcoreMesh(core_axis_name="c", subcore_axis_name="s"),
        scratch_types=[
            pltpu.VMEM_SHARED((_CGPAD, FEAT), jnp.float32),
            pltpu.VMEM_SHARED((_CGPAD, FEAT), jnp.float32),
            pltpu.VMEM_SHARED((_CGPAD, FEAT), jnp.float32),
            pltpu.VMEM((128,), jnp.int32),
            pltpu.VMEM((64,), jnp.int32),
            pltpu.VMEM((128, FEAT), jnp.float32),
            pltpu.VMEM((128, FEAT), jnp.float32),
        ],
    )(sc_pad, h_pad, map_pad)


def _assemble_body(sh_ref, cnt_ref, d0_ref, d1_ref, d2_ref, out_ref):
    sh = sh_ref[0] + sh_ref[1]
    cnt = cnt_ref[0][:, :1] + cnt_ref[1][:, :1]
    out_ref[...] = (sh / jnp.clip(cnt, 1.0)
                    + d0_ref[0] + d0_ref[1]
                    + d1_ref[0] + d1_ref[1]
                    + d2_ref[0] + d2_ref[1])


@jax.jit
def _assemble_call(shp, cntp, d0p, d1p, d2p):
    full = lambda shape: pl.BlockSpec(shape, lambda: (0, 0, 0))
    return pl.pallas_call(
        _assemble_body,
        in_specs=[
            full((_NC, _CGPAD, FEAT)),
            full((_NC, _CGPAD, FEAT)),
            full((_NC, _CGPAD, FEAT)),
            full((_NC, _CGPAD, FEAT)),
            full((_NC, _CGPAD, FEAT)),
        ],
        out_specs=pl.BlockSpec((_CGPAD, FEAT), lambda: (0, 0)),
        out_shape=jax.ShapeDtypeStruct((_CGPAD, FEAT), jnp.float32),
    )(shp, cntp, d0p, d1p, d2p)


def _w_body(xt_ref, waug_ref, out_ref):
    out_ref[...] = lax.dot_general(xt_ref[...], waug_ref[...], (((0,), (0,)), ((), ())),
                                   preferred_element_type=jnp.float32)


@jax.jit
def _w_call(xt_e, waug):
    n = xt_e.shape[1]
    blk = 4096 if n % 4096 == 0 else 2048
    return pl.pallas_call(
        _w_body,
        grid=(n // blk,),
        in_specs=[
            pl.BlockSpec((XPAD, blk), lambda i: (0, i)),
            pl.BlockSpec((XPAD, FEAT), lambda i: (0, 0)),
        ],
        out_specs=pl.BlockSpec((blk, FEAT), lambda i: (i, 0)),
        out_shape=jax.ShapeDtypeStruct((n, FEAT), jnp.float32),
    )(xt_e, waug)


def _distT_body(cutoff, d2_ref, out_ref):
    blk = out_ref.shape[1]
    d = jnp.sqrt(d2_ref[...].reshape(1, blk) + 1e-12)
    k = lax.broadcasted_iota(jnp.int32, (XPAD, blk), 0)
    kf = k.astype(jnp.float32) + 1.0
    rbf = jnp.sin(kf * (jnp.pi / cutoff) * d) / d
    env = jnp.where(d < cutoff, 0.5 * (jnp.cos(jnp.pi * d / cutoff) + 1.0), 0.0)
    x = jnp.where(k < N_RBF, rbf * env, 0.0)
    x = jnp.where(k == N_RBF, env, x)
    out_ref[...] = x


@functools.partial(jax.jit, static_argnames=("cutoff",))
def _distT_call(d2, cutoff):
    n = d2.shape[0]
    blk = 4096 if n % 4096 == 0 else 2048
    return pl.pallas_call(
        functools.partial(_distT_body, cutoff),
        grid=(n // blk,),
        in_specs=[pl.BlockSpec((blk,), lambda i: (i,))],
        out_specs=pl.BlockSpec((XPAD, blk), lambda i: (0, i)),
        out_shape=jax.ShapeDtypeStruct((XPAD, n), jnp.float32),
    )(d2)


_EPAD = 163840
_GC = 64
_GCHUNKS = N_EDGES // _GC
_CCHUNKS = _APAD // _GC


def _geom_sc_body(xs_hbm, ys_hbm, zs_hbm, cx_hbm, cy_hbm, cz_hbm,
                  n0_hbm, n1_hbm, map_hbm, d2e_hbm, d2c_hbm,
                  xs_v, ys_v, zs_v, cxs_v, cys_v, czs_v, i0_v, i1_v, d2_v):
    c = lax.axis_index("c")
    s = lax.axis_index("s")
    wid = s * _NC + c
    pltpu.sync_copy(xs_hbm, xs_v)
    pltpu.sync_copy(ys_hbm, ys_v)
    pltpu.sync_copy(zs_hbm, zs_v)
    pltpu.sync_copy(cx_hbm, cxs_v)
    pltpu.sync_copy(cy_hbm, cys_v)
    pltpu.sync_copy(cz_hbm, czs_v)

    nch = jnp.where(wid < _GCHUNKS - (_GCHUNKS // _NW) * _NW,
                    _GCHUNKS // _NW + 1, _GCHUNKS // _NW)

    def _echunk(j, carry):
        base = (j * _NW + wid) * _GC
        pltpu.sync_copy(n0_hbm.at[pl.ds(base, _GC)], i0_v)
        pltpu.sync_copy(n1_hbm.at[pl.ds(base, _GC)], i1_v)
        for k in range(_GC // 16):
            sl = pl.ds(k * 16, 16)
            i0 = i0_v[sl]
            i1 = i1_v[sl]
            dx = plsc.load_gather(xs_v, [i1]) - plsc.load_gather(xs_v, [i0])
            dy = plsc.load_gather(ys_v, [i1]) - plsc.load_gather(ys_v, [i0])
            dz = plsc.load_gather(zs_v, [i1]) - plsc.load_gather(zs_v, [i0])
            d2_v[sl] = dx * dx + dy * dy + dz * dz
        pltpu.sync_copy(d2_v, d2e_hbm.at[pl.ds(base, _GC)])
        return carry
    lax.fori_loop(0, nch, _echunk, 0)

    def _cchunk(j, carry):
        base = (j * _NW + wid) * _GC
        pltpu.sync_copy(map_hbm.at[pl.ds(base, _GC)], i0_v)
        for k in range(_GC // 16):
            sl = pl.ds(k * 16, 16)
            im = i0_v[sl]
            xi = xs_v[pl.ds(base + k * 16, 16)]
            yi = ys_v[pl.ds(base + k * 16, 16)]
            zi = zs_v[pl.ds(base + k * 16, 16)]
            dx = xi - plsc.load_gather(cxs_v, [im])
            dy = yi - plsc.load_gather(cys_v, [im])
            dz = zi - plsc.load_gather(czs_v, [im])
            d2_v[sl] = dx * dx + dy * dy + dz * dz
        pltpu.sync_copy(d2_v, d2c_hbm.at[pl.ds(base, _GC)])
        return carry
    lax.fori_loop(0, _CCHUNKS // _NW, _cchunk, 0)


@jax.jit
def _geom_sc_call(xyzt, cgt, nbr0, nbr1, map_pad):
    coords = tuple(xyzt[k] for k in range(3)) + tuple(cgt[k] for k in range(3))
    return pl.kernel(
        _geom_sc_body,
        out_type=(
            jax.ShapeDtypeStruct((_EPAD,), jnp.float32),
            jax.ShapeDtypeStruct((_APAD,), jnp.float32),
        ),
        mesh=plsc.VectorSubcoreMesh(core_axis_name="c", subcore_axis_name="s"),
        compiler_params=pltpu.CompilerParams(needs_layout_passes=False),
        scratch_types=[
            pltpu.VMEM((_APAD,), jnp.float32),
            pltpu.VMEM((_APAD,), jnp.float32),
            pltpu.VMEM((_APAD,), jnp.float32),
            pltpu.VMEM((_CGPAD,), jnp.float32),
            pltpu.VMEM((_CGPAD,), jnp.float32),
            pltpu.VMEM((_CGPAD,), jnp.float32),
            pltpu.VMEM((_GC,), jnp.int32),
            pltpu.VMEM((_GC,), jnp.int32),
            pltpu.VMEM((_GC,), jnp.float32),
        ],
    )(*coords, nbr0, nbr1, map_pad)


def _aug_filter(p):
    w = jnp.concatenate([p['Wd'][:, :FEAT], p['bd'][None, :FEAT]], axis=0)
    return jnp.pad(w, ((0, XPAD - XDIM), (0, 0)))


def kernel(z, xyz, cg_xyz, mapping, nbr_list, cg_nbr_list, embed_table, msg_params, cg_params):
    h = jnp.pad(embed_table[z], ((0, _APAD - N_ATOMS), (0, 0)))
    nbr0 = jnp.asarray(nbr_list[:, 0], jnp.int32)
    nbr1 = jnp.asarray(nbr_list[:, 1], jnp.int32)
    map_pad = jnp.concatenate([jnp.asarray(mapping, jnp.int32),
                               jnp.full((_APAD - N_ATOMS,), N_CG, jnp.int32)])

    xyzt = jnp.pad(jnp.asarray(xyz, jnp.float32), ((0, _APAD - N_ATOMS), (0, 0))).T
    cgt = jnp.pad(jnp.asarray(cg_xyz, jnp.float32), ((0, _CGPAD - N_CG), (0, 0))).T
    d2e, d2c_pad = _geom_sc_call(xyzt, cgt, nbr0, nbr1, map_pad)
    xt_e = _distT_call(d2e, CUTOFF)
    xt_c = _distT_call(d2c_pad, CG_CUTOFF)[:, :N_ATOMS]
    dhp = [None] * N_CONV
    shp = cntp = None
    for i in range(N_CONV):
        p = msg_params[i]
        phi = _phi_call(h, p['W1'], p['b1'][None, :], p['W2'][:, :FEAT], p['b2'][None, :FEAT])
        w_e = _w_call(xt_e, _aug_filter(p))
        dsp = _edge_sc_call(phi, w_e, nbr0, nbr1)
        q = cg_params[i]
        h, sc = _contract_call(h, dsp, q['W1'], q['b1'][None, :], q['W2'][:, :FEAT],
                               q['b2'][None, :FEAT], xt_c, _aug_filter(q))
        if i == 0:
            dhp[i], shp, cntp = _contract0_sc_call(sc, h, map_pad)
        else:
            dhp[i] = _contract_sc_call(sc, map_pad)
    H = _assemble_call(shp, cntp, dhp[0], dhp[1], dhp[2])[:N_CG]
    return (H, h[:N_ATOMS])

# --- scband reference (transcript-rebuilt; emitter-appended) ---
"""Pipeline reference for scband-equi-encoder-1778116461239 (READ-ONLY COPY).

The authoritative reference and input builder live on the scoring server;
editing this copy changes nothing except your own understanding.
"""

import jax, jax.numpy as jnp
import numpy as np

N_ATOMS = 10000
N_CG = 1000
N_EDGES = 160000
N_CG_EDGES = 16000
FEAT = 128
N_RBF = 20
N_CONV = 3
CUTOFF = 5.0
CG_CUTOFF = 20.0


def _swish(x):
    return x * jax.nn.sigmoid(x)


def _dist_unit(r):
    d = jnp.sqrt(jnp.sum(r * r, axis=-1) + 1e-12)
    return d, r / d[:, None]


def _dist_embed(d, Wd, bd, cutoff):
    # PainnRadialBasis: sin(n*pi*d/cutoff)/d, n=1..N_RBF, then Dense, then cosine cutoff envelope
    n = jnp.arange(1, N_RBF + 1, dtype=jnp.float32)
    rbf = jnp.sin(n[None, :] * jnp.pi * d[:, None] / cutoff) / d[:, None]
    feats = rbf @ Wd + bd
    env = jnp.where(d < cutoff, 0.5 * (jnp.cos(jnp.pi * d / cutoff) + 1.0), 0.0)
    return feats * env[:, None]


def _inv_dense(s, p):
    h = _swish(s @ p['W1'] + p['b1'])
    return h @ p['W2'] + p['b2']


def _equi_message(s, v, r_ij, nbrs, p):
    # PaiNN-style message block (EquiMessageBlock)
    d, u = _dist_unit(r_ij)
    phi = _inv_dense(s, p)
    w = _dist_embed(d, p['Wd'], p['bd'], CUTOFF)
    inv_out = phi[nbrs[:, 1]] * w
    F = s.shape[1]
    s0, s1, s2 = inv_out[:, :F], inv_out[:, F:2 * F], inv_out[:, 2 * F:]
    dv = s2[:, :, None] * u[:, None, :] + s1[:, :, None] * v[nbrs[:, 1]]
    ds_i = jax.ops.segment_sum(s0, nbrs[:, 0], num_segments=s.shape[0])
    dv_i = jax.ops.segment_sum(dv, nbrs[:, 0], num_segments=s.shape[0])
    return ds_i, dv_i


def _contract_message(s, v, r_iI, mapping, p):
    # ContractiveMessageBlock: atom -> CG bead messages aggregated by mapping
    d, u = _dist_unit(r_iI)
    phi = _inv_dense(s, p)
    w = _dist_embed(d, p['Wd'], p['bd'], CG_CUTOFF)
    inv_out = phi * w
    F = s.shape[1]
    s0, s1, s2 = inv_out[:, :F], inv_out[:, F:2 * F], inv_out[:, 2 * F:]
    dv = s2[:, :, None] * u[:, None, :] + s1[:, :, None] * v
    dS = jax.ops.segment_sum(s0, mapping, num_segments=N_CG)
    dV = jax.ops.segment_sum(dv, mapping, num_segments=N_CG)
    return dS, dV


def _scatter_mean(x, idx, n):
    cnt = jax.ops.segment_sum(jnp.ones((x.shape[0],), dtype=x.dtype), idx, num_segments=n)
    cnt = jnp.clip(cnt, 1.0)
    s = jax.ops.segment_sum(x, idx, num_segments=n)
    return s / cnt.reshape((n,) + (1,) * (x.ndim - 1))


def _make_params(key):
    ks = jax.random.split(key, 3)
    return {
        'W1': jax.random.normal(ks[0], (FEAT, FEAT), dtype=jnp.float32) / np.sqrt(FEAT),
        'b1': jnp.zeros((FEAT,), dtype=jnp.float32),
        'W2': jax.random.normal(ks[1], (FEAT, 3 * FEAT), dtype=jnp.float32) / np.sqrt(FEAT),
        'b2': jnp.zeros((3 * FEAT,), dtype=jnp.float32),
        'Wd': jax.random.normal(ks[2], (N_RBF, 3 * FEAT), dtype=jnp.float32) / np.sqrt(N_RBF),
        'bd': jnp.zeros((3 * FEAT,), dtype=jnp.float32),
    }


def setup_inputs(seed: int = 0) -> dict:
    key = jax.random.key(seed)
    ks = jax.random.split(key, 9)
    z = jax.random.randint(ks[0], (N_ATOMS,), 0, 100, dtype=jnp.int32)
    xyz = jax.random.normal(ks[1], (N_ATOMS, 3), dtype=jnp.float32)
    cg_xyz = jax.random.normal(ks[2], (N_CG, 3), dtype=jnp.float32)
    mapping = jax.random.randint(ks[3], (N_ATOMS,), 0, N_CG, dtype=jnp.int32)
    nbr_list = jax.random.randint(ks[4], (N_EDGES, 2), 0, N_ATOMS, dtype=jnp.int32)
    cg_nbr_list = jax.random.randint(ks[5], (N_CG_EDGES, 2), 0, N_CG, dtype=jnp.int32)
    embed_table = jax.random.normal(ks[6], (100, FEAT), dtype=jnp.float32)
    embed_table = embed_table.at[0].set(0.0)  # padding_idx=0
    msg_params = [_make_params(jax.random.fold_in(ks[7], i)) for i in range(N_CONV)]
    cg_params = [_make_params(jax.random.fold_in(ks[8], i)) for i in range(N_CONV)]
    return {'z': z, 'xyz': xyz, 'cg_xyz': cg_xyz, 'mapping': mapping,
            'nbr_list': nbr_list, 'cg_nbr_list': cg_nbr_list,
            'embed_table': embed_table, 'msg_params': msg_params, 'cg_params': cg_params}


def reference(z, xyz, cg_xyz, mapping, nbr_list, cg_nbr_list, embed_table, msg_params, cg_params):
    # make_directed: random nbr_list has both i>j and j>i pairs -> already directed, identity
    h = embed_table[z]
    v = jnp.zeros((h.shape[0], h.shape[1], 3), dtype=h.dtype)
    r_ij = xyz[nbr_list[:, 1]] - xyz[nbr_list[:, 0]]
    r_iI = xyz - cg_xyz[mapping]
    H = jnp.zeros((N_CG, FEAT), dtype=h.dtype)
    V = jnp.zeros((N_CG, FEAT, 3), dtype=h.dtype)
    for i in range(N_CONV):
        ds, dv = _equi_message(h, v, r_ij, nbr_list, msg_params[i])
        h = h + ds
        v = v + dv
        if i == 0:
            H = _scatter_mean(h, mapping, N_CG)
            V = _scatter_mean(v, mapping, N_CG)
        dH, dV = _contract_message(h, v, r_iI, mapping, cg_params[i])
        H = H + dH
        V = V + dV
    return (H, h)

if __name__ == "__main__":
    import jax
    _d = setup_inputs()
    print(jax.jit(kernel)(*tuple(_d.values())))

</pallas_src>

<mosaic_0001>
#map = affine_map<(d0, d1) -> (0)>
module attributes {stable_mosaic.version = 14 : i64} {
  func.func @_geom_sc_body(%arg0: i32, %arg1: i32, %arg2: memref<10240xf32, #tpu.memory_space<hbm>>, %arg3: memref<10240xf32, #tpu.memory_space<hbm>>, %arg4: memref<10240xf32, #tpu.memory_space<hbm>>, %arg5: memref<1024xf32, #tpu.memory_space<hbm>>, %arg6: memref<1024xf32, #tpu.memory_space<hbm>>, %arg7: memref<1024xf32, #tpu.memory_space<hbm>>, %arg8: memref<160000xi32, #tpu.memory_space<hbm>>, %arg9: memref<160000xi32, #tpu.memory_space<hbm>>, %arg10: memref<10240xi32, #tpu.memory_space<hbm>>, %arg11: memref<163840xf32, #tpu.memory_space<hbm>>, %arg12: memref<10240xf32, #tpu.memory_space<hbm>>, %arg13: memref<10240xf32, #tpu.memory_space<vmem>>, %arg14: memref<10240xf32, #tpu.memory_space<vmem>>, %arg15: memref<10240xf32, #tpu.memory_space<vmem>>, %arg16: memref<1024xf32, #tpu.memory_space<vmem>>, %arg17: memref<1024xf32, #tpu.memory_space<vmem>>, %arg18: memref<1024xf32, #tpu.memory_space<vmem>>, %arg19: memref<64xi32, #tpu.memory_space<vmem>>, %arg20: memref<64xi32, #tpu.memory_space<vmem>>, %arg21: memref<64xf32, #tpu.memory_space<vmem>>) attributes {dimension_semantics = [#tpu.dimension_semantics<core_parallel>, #tpu.dimension_semantics<subcore_parallel>], iteration_bounds = array<i64: 2, 16>, scalar_prefetch = 0 : i64, scratch_operands = 9 : i64, tpu.core_type = #tpu.core_type<sc_vector_subcore>, window_params = [{transform_indices = #map}, {transform_indices = #map}, {transform_indices = #map}, {transform_indices = #map}, {transform_indices = #map}, {transform_indices = #map}, {transform_indices = #map}, {transform_indices = #map}, {transform_indices = #map}, {transform_indices = #map}, {transform_indices = #map}]} {
    %mul3A = arith.constant 2 : i32
    %mul3A_0 = arith.muli %arg1, %mul3A : i32
    %add3A = arith.addi %mul3A_0, %arg0 : i32
    "tpu.region"() ({
      %run_scoped3A = tpu.sem_alloc : memref<!tpu.dma_semaphore, #tpu.memory_space<semaphore_mem>>
      tpu.enqueue_dma source(%arg2 : memref<10240xf32, #tpu.memory_space<hbm>>) target(%arg13 : memref<10240xf32, #tpu.memory_space<vmem>>) target_semaphore(%run_scoped3A : memref<!tpu.dma_semaphore, #tpu.memory_space<semaphore_mem>>)
      tpu.wait_dma2 semaphore(%run_scoped3A : memref<!tpu.dma_semaphore, #tpu.memory_space<semaphore_mem>>) src(%arg2 : memref<10240xf32, #tpu.memory_space<hbm>>) dst(%arg13 : memref<10240xf32, #tpu.memory_space<vmem>>)
      tpu.yield
    }) : () -> ()
    "tpu.region"() ({
      %run_scoped3A = tpu.sem_alloc : memref<!tpu.dma_semaphore, #tpu.memory_space<semaphore_mem>>
      tpu.enqueue_dma source(%arg3 : memref<10240xf32, #tpu.memory_space<hbm>>) target(%arg14 : memref<10240xf32, #tpu.memory_space<vmem>>) target_semaphore(%run_scoped3A : memref<!tpu.dma_semaphore, #tpu.memory_space<semaphore_mem>>)
      tpu.wait_dma2 semaphore(%run_scoped3A : memref<!tpu.dma_semaphore, #tpu.memory_space<semaphore_mem>>) src(%arg3 : memref<10240xf32, #tpu.memory_space<hbm>>) dst(%arg14 : memref<10240xf32, #tpu.memory_space<vmem>>)
      tpu.yield
    }) : () -> ()
    "tpu.region"() ({
      %run_scoped3A = tpu.sem_alloc : memref<!tpu.dma_semaphore, #tpu.memory_space<semaphore_mem>>
      tpu.enqueue_dma source(%arg4 : memref<10240xf32, #tpu.memory_space<hbm>>) target(%arg15 : memref<10240xf32, #tpu.memory_space<vmem>>) target_semaphore(%run_scoped3A : memref<!tpu.dma_semaphore, #tpu.memory_space<semaphore_mem>>)
      tpu.wait_dma2 semaphore(%run_scoped3A : memref<!tpu.dma_semaphore, #tpu.memory_space<semaphore_mem>>) src(%arg4 : memref<10240xf32, #tpu.memory_space<hbm>>) dst(%arg15 : memref<10240xf32, #tpu.memory_space<vmem>>)
      tpu.yield
    }) : () -> ()
    "tpu.region"() ({
      %run_scoped3A = tpu.sem_alloc : memref<!tpu.dma_semaphore, #tpu.memory_space<semaphore_mem>>
      tpu.enqueue_dma source(%arg5 : memref<1024xf32, #tpu.memory_space<hbm>>) target(%arg16 : memref<1024xf32, #tpu.memory_space<vmem>>) target_semaphore(%run_scoped3A : memref<!tpu.dma_semaphore, #tpu.memory_space<semaphore_mem>>)
      tpu.wait_dma2 semaphore(%run_scoped3A : memref<!tpu.dma_semaphore, #tpu.memory_space<semaphore_mem>>) src(%arg5 : memref<1024xf32, #tpu.memory_space<hbm>>) dst(%arg16 : memref<1024xf32, #tpu.memory_space<vmem>>)
      tpu.yield
    }) : () -> ()
    "tpu.region"() ({
      %run_scoped3A = tpu.sem_alloc : memref<!tpu.dma_semaphore, #tpu.memory_space<semaphore_mem>>
      tpu.enqueue_dma source(%arg6 : memref<1024xf32, #tpu.memory_space<hbm>>) target(%arg17 : memref<1024xf32, #tpu.memory_space<vmem>>) target_semaphore(%run_scoped3A : memref<!tpu.dma_semaphore, #tpu.memory_space<semaphore_mem>>)
      tpu.wait_dma2 semaphore(%run_scoped3A : memref<!tpu.dma_semaphore, #tpu.memory_space<semaphore_mem>>) src(%arg6 : memref<1024xf32, #tpu.memory_space<hbm>>) dst(%arg17 : memref<1024xf32, #tpu.memory_space<vmem>>)
      tpu.yield
    }) : () -> ()
    "tpu.region"() ({
      %run_scoped3A = tpu.sem_alloc : memref<!tpu.dma_semaphore, #tpu.memory_space<semaphore_mem>>
      tpu.enqueue_dma source(%arg7 : memref<1024xf32, #tpu.memory_space<hbm>>) target(%arg18 : memref<1024xf32, #tpu.memory_space<vmem>>) target_semaphore(%run_scoped3A : memref<!tpu.dma_semaphore, #tpu.memory_space<semaphore_mem>>)
      tpu.wait_dma2 semaphore(%run_scoped3A : memref<!tpu.dma_semaphore, #tpu.memory_space<semaphore_mem>>) src(%arg7 : memref<1024xf32, #tpu.memory_space<hbm>>) dst(%arg18 : memref<1024xf32, #tpu.memory_space<vmem>>)
      tpu.yield
    }) : () -> ()
    %lt3A = arith.constant 4 : i32
    %lt3A_1 = arith.cmpi slt, %add3A, %lt3A : i32
    %jit3A = arith.constant 79 : i32
    %jit3A_2 = arith.constant 78 : i32
    %select_n3A = arith.select %lt3A_1, %jit3A, %jit3A_2 : i32
    %while3A = arith.constant 0 : i32
    %while3A_3 = arith.constant 0 : i32
    %while3A_4 = arith.subi %select_n3A, %while3A_3 : i32
    %while3A_5 = arith.addi %while3A_3, %while3A_4 : i32
    %while3A_6 = arith.constant 1 : i32
    %while3A_7 = arith.divsi %while3A_4, %while3A_6 : i32
    %while3A_8 = arith.muli %while3A_7, %while3A_6 : i32
    %while3A_9 = arith.addi %while3A_3, %while3A_8 : i32
    %while3A_10 = arith.constant 1 : i32
    scf.for %while3A_17 = %while3A_3 to %while3A_9 step %while3A_10  : i32 {
      %mul3A_18 = arith.constant 32 : i32
      %mul3A_19 = arith.muli %while3A_17, %mul3A_18 : i32
      %add3A_20 = arith.addi %mul3A_19, %add3A : i32
      %mul3A_21 = arith.constant 64 : i32
      %mul3A_22 = arith.muli %add3A_20, %mul3A_21 : i32
      "tpu.region"() ({
        %run_scoped3A = tpu.sem_alloc : memref<!tpu.dma_semaphore, #tpu.memory_space<semaphore_mem>>
        %dma_start3A = tpu.memref_slice %arg8[%mul3A_22] : memref<160000xi32, #tpu.memory_space<hbm>> -> memref<64xi32, #tpu.memory_space<hbm>>
        %dma_start3A_99 = tpu.memref_slice %arg8[%mul3A_22] : memref<160000xi32, #tpu.memory_space<hbm>> -> memref<64xi32, #tpu.memory_space<hbm>>
        tpu.enqueue_dma source(%dma_start3A_99 : memref<64xi32, #tpu.memory_space<hbm>>) target(%arg19 : memref<64xi32, #tpu.memory_space<vmem>>) target_semaphore(%run_scoped3A : memref<!tpu.dma_semaphore, #tpu.memory_space<semaphore_mem>>)
        %dma_wait3A = tpu.memref_slice %arg8[%mul3A_22] : memref<160000xi32, #tpu.memory_space<hbm>> -> memref<64xi32, #tpu.memory_space<hbm>>
        %dma_wait3A_100 = tpu.memref_slice %arg8[%mul3A_22] : memref<160000xi32, #tpu.memory_space<hbm>> -> memref<64xi32, #tpu.memory_space<hbm>>
        tpu.wait_dma2 semaphore(%run_scoped3A : memref<!tpu.dma_semaphore, #tpu.memory_space<semaphore_mem>>) src(%dma_wait3A_100 : memref<64xi32, #tpu.memory_space<hbm>>) dst(%arg19 : memref<64xi32, #tpu.memory_space<vmem>>)
        tpu.yield
      }) : () -> ()
      "tpu.region"() ({
        %run_scoped3A = tpu.sem_alloc : memref<!tpu.dma_semaphore, #tpu.memory_space<semaphore_mem>>
        %dma_start3A = tpu.memref_slice %arg9[%mul3A_22] : memref<160000xi32, #tpu.memory_space<hbm>> -> memref<64xi32, #tpu.memory_space<hbm>>
        %dma_start3A_99 = tpu.memref_slice %arg9[%mul3A_22] : memref<160000xi32, #tpu.memory_space<hbm>> -> memref<64xi32, #tpu.memory_space<hbm>>
        tpu.enqueue_dma source(%dma_start3A_99 : memref<64xi32, #tpu.memory_space<hbm>>) target(%arg20 : memref<64xi32, #tpu.memory_space<vmem>>) target_semaphore(%run_scoped3A : memref<!tpu.dma_semaphore, #tpu.memory_space<semaphore_mem>>)
        %dma_wait3A = tpu.memref_slice %arg9[%mul3A_22] : memref<160000xi32, #tpu.memory_space<hbm>> -> memref<64xi32, #tpu.memory_space<hbm>>
        %dma_wait3A_100 = tpu.memref_slice %arg9[%mul3A_22] : memref<160000xi32, #tpu.memory_space<hbm>> -> memref<64xi32, #tpu.memory_space<hbm>>
        tpu.wait_dma2 semaphore(%run_scoped3A : memref<!tpu.dma_semaphore, #tpu.memory_space<semaphore_mem>>) src(%dma_wait3A_100 : memref<64xi32, #tpu.memory_space<hbm>>) dst(%arg20 : memref<64xi32, #tpu.memory_space<vmem>>)
        tpu.yield
      }) : () -> ()
      %get3A = arith.constant 0 : index
      %get3A_23 = tpu.vector_load %arg19[%get3A] {strides = array<i32>} : memref<64xi32, #tpu.memory_space<vmem>>, vector<16xi32>,
      %get3A_24 = arith.constant 0 : index
      %get3A_25 = tpu.vector_load %arg20[%get3A_24] {strides = array<i32>} : memref<64xi32, #tpu.memory_space<vmem>>, vector<16xi32>,
      %gather3A = tpu.vector_load_idx %arg13[%get3A_25] : memref<10240xf32, #tpu.memory_space<vmem>>[vector<16xi32>], vector<16xf32>,
      %gather3A_26 = tpu.vector_load_idx %arg13[%get3A_23] : memref<10240xf32, #tpu.memory_space<vmem>>[vector<16xi32>], vector<16xf32>,
      %sub3A = arith.subf %gather3A, %gather3A_26 : vector<16xf32>
      %gather3A_27 = tpu.vector_load_idx %arg14[%get3A_25] : memref<10240xf32, #tpu.memory_space<vmem>>[vector<16xi32>], vector<16xf32>,
      %gather3A_28 = tpu.vector_load_idx %arg14[%get3A_23] : memref<10240xf32, #tpu.memory_space<vmem>>[vector<16xi32>], vector<16xf32>,
      %sub3A_29 = arith.subf %gather3A_27, %gather3A_28 : vector<16xf32>
      %gather3A_30 = tpu.vector_load_idx %arg15[%get3A_25] : memref<10240xf32, #tpu.memory_space<vmem>>[vector<16xi32>], vector<16xf32>,
      %gather3A_31 = tpu.vector_load_idx %arg15[%get3A_23] : memref<10240xf32, #tpu.memory_space<vmem>>[vector<16xi32>], vector<16xf32>,
      %sub3A_32 = arith.subf %gather3A_30, %gather3A_31 : vector<16xf32>
      %mul3A_33 = arith.mulf %sub3A, %sub3A : vector<16xf32>
      %mul3A_34 = arith.mulf %sub3A_29, %sub3A_29 : vector<16xf32>
      %add3A_35 = arith.addf %mul3A_33, %mul3A_34 : vector<16xf32>
      %mul3A_36 = arith.mulf %sub3A_32, %sub3A_32 : vector<16xf32>
      %add3A_37 = arith.addf %add3A_35, %mul3A_36 : vector<16xf32>
      %swap3A = arith.constant 0 : index
      %swap3A_38 = tpu.vector_load %arg21[%swap3A] {strides = array<i32>} : memref<64xf32, #tpu.memory_space<vmem>>, vector<16xf32>,
      tpu.vector_store %arg21[%swap3A], %add3A_37 {strides = array<i32>} : memref<64xf32, #tpu.memory_space<vmem>>, vector<16xf32>,
      %get3A_39 = arith.constant 16 : index
      %get3A_40 = tpu.vector_load %arg19[%get3A_39] {strides = array<i32>} : memref<64xi32, #tpu.memory_space<vmem>>, vector<16xi32>,
      %get3A_41 = arith.constant 16 : index
      %get3A_42 = tpu.vector_load %arg20[%get3A_41] {strides = array<i32>} : memref<64xi32, #tpu.memory_space<vmem>>, vector<16xi32>,
      %gather3A_43 = tpu.vector_load_idx %arg13[%get3A_42] : memref<10240xf32, #tpu.memory_space<vmem>>[vector<16xi32>], vector<16xf32>,
      %gather3A_44 = tpu.vector_load_idx %arg13[%get3A_40] : memref<10240xf32, #tpu.memory_space<vmem>>[vector<16xi32>], vector<16xf32>,
      %sub3A_45 = arith.subf %gather3A_43, %gather3A_44 : vector<16xf32>
      %gather3A_46 = tpu.vector_load_idx %arg14[%get3A_42] : memref<10240xf32, #tpu.memory_space<vmem>>[vector<16xi32>], vector<16xf32>,
      %gather3A_47 = tpu.vector_load_idx %arg14[%get3A_40] : memref<10240xf32, #tpu.memory_space<vmem>>[vector<16xi32>], vector<16xf32>,
      %sub3A_48 = arith.subf %gather3A_46, %gather3A_47 : vector<16xf32>
      %gather3A_49 = tpu.vector_load_idx %arg15[%get3A_42] : memref<10240xf32, #tpu.memory_space<vmem>>[vector<16xi32>], vector<16xf32>,
      %gather3A_50 = tpu.vector_load_idx %arg15[%get3A_40] : memref<10240xf32, #tpu.memory_space<vmem>>[vector<16xi32>], vector<16xf32>,
      %sub3A_51 = arith.subf %gather3A_49, %gather3A_50 : vector<16xf32>
      %mul3A_52 = arith.mulf %sub3A_45, %sub3A_45 : vector<16xf32>
      %mul3A_53 = arith.mulf %sub3A_48, %sub3A_48 : vector<16xf32>
      %add3A_54 = arith.addf %mul3A_52, %mul3A_53 : vector<16xf32>
      %mul3A_55 = arith.mulf %sub3A_51, %sub3A_51 : vector<16xf32>
      %add3A_56 = arith.addf %add3A_54, %mul3A_55 : vector<16xf32>
      %swap3A_57 = arith.constant 16 : index
      %swap3A_58 = tpu.vector_load %arg21[%swap3A_57] {strides = array<i32>} : memref<64xf32, #tpu.memory_space<vmem>>, vector<16xf32>,
      tpu.vector_store %arg21[%swap3A_57], %add3A_56 {strides = array<i32>} : memref<64xf32, #tpu.memory_space<vmem>>, vector<16xf32>,
      %get3A_59 = arith.constant 32 : index
      %get3A_60 = tpu.vector_load %arg19[%get3A_59] {strides = array<i32>} : memref<64xi32, #tpu.memory_space<vmem>>, vector<16xi32>,
      %get3A_61 = arith.constant 32 : index
      %get3A_62 = tpu.vector_load %arg20[%get3A_61] {strides = array<i32>} : memref<64xi32, #tpu.memory_space<vmem>>, vector<16xi32>,
      %gather3A_63 = tpu.vector_load_idx %arg13[%get3A_62] : memref<10240xf32, #tpu.memory_space<vmem>>[vector<16xi32>], vector<16xf32>,
      %gather3A_64 = tpu.vector_load_idx %arg13[%get3A_60] : memref<10240xf32, #tpu.memory_space<vmem>>[vector<16xi32>], vector<16xf32>,
      %sub3A_65 = arith.subf %gather3A_63, %gather3A_64 : vector<16xf32>
      %gather3A_66 = tpu.vector_load_idx %arg14[%get3A_62] : memref<10240xf32, #tpu.memory_space<vmem>>[vector<16xi32>], vector<16xf32>,
      %gather3A_67 = tpu.vector_load_idx %arg14[%get3A_60] : memref<10240xf32, #tpu.memory_space<vmem>>[vector<16xi32>], vector<16xf32>,
      %sub3A_68 = arith.subf %gather3A_66, %gather3A_67 : vector<16xf32>
      %gather3A_69 = tpu.vector_load_idx %arg15[%get3A_62] : memref<10240xf32, #tpu.memory_space<vmem>>[vector<16xi32>], vector<16xf32>,
      %gather3A_70 = tpu.vector_load_idx %arg15[%get3A_60] : memref<10240xf32, #tpu.memory_space<vmem>>[vector<16xi32>], vector<16xf32>,
      %sub3A_71 = arith.subf %gather3A_69, %gather3A_70 : vector<16xf32>
      %mul3A_72 = arith.mulf %sub3A_65, %sub3A_65 : vector<16xf32>
      %mul3A_73 = arith.mulf %sub3A_68, %sub3A_68 : vector<16xf32>
      %add3A_74 = arith.addf %mul3A_72, %mul3A_73 : vector<16xf32>
      %mul3A_75 = arith.mulf %sub3A_71, %sub3A_71 : vector<16xf32>
      %add3A_76 = arith.addf %add3A_74, %mul3A_75 : vector<16xf32>
      %swap3A_77 = arith.constant 32 : index
      %swap3A_78 = tpu.vector_load %arg21[%swap3A_77] {strides = array<i32>} : memref<64xf32, #tpu.memory_space<vmem>>, vector<16xf32>,
      tpu.vector_store %arg21[%swap3A_77], %add3A_76 {strides = array<i32>} : memref<64xf32, #tpu.memory_space<vmem>>, vector<16xf32>,
      %get3A_79 = arith.constant 48 : index
      %get3A_80 = tpu.vector_load %arg19[%get3A_79] {strides = array<i32>} : memref<64xi32, #tpu.memory_space<vmem>>, vector<16xi32>,
      %get3A_81 = arith.constant 48 : index
      %get3A_82 = tpu.vector_load %arg20[%get3A_81] {strides = array<i32>} : memref<64xi32, #tpu.memory_space<vmem>>, vector<16xi32>,
      %gather3A_83 = tpu.vector_load_idx %arg13[%get3A_82] : memref<10240xf32, #tpu.memory_space<vmem>>[vector<16xi32>], vector<16xf32>,
      %gather3A_84 = tpu.vector_load_idx %arg13[%get3A_80] : memref<10240xf32, #tpu.memory_space<vmem>>[vector<16xi32>], vector<16xf32>,
      %sub3A_85 = arith.subf %gather3A_83, %gather3A_84 : vector<16xf32>
      %gather3A_86 = tpu.vector_load_idx %arg14[%get3A_82] : memref<10240xf32, #tpu.memory_space<vmem>>[vector<16xi32>], vector<16xf32>,
      %gather3A_87 = tpu.vector_load_idx %arg14[%get3A_80] : memref<10240xf32, #tpu.memory_space<vmem>>[vector<16xi32>], vector<16xf32>,
      %sub3A_88 = arith.subf %gather3A_86, %gather3A_87 : vector<16xf32>
      %gather3A_89 = tpu.vector_load_idx %arg15[%get3A_82] : memref<10240xf32, #tpu.memory_space<vmem>>[vector<16xi32>], vector<16xf32>,
      %gather3A_90 = tpu.vector_load_idx %arg15[%get3A_80] : memref<10240xf32, #tpu.memory_space<vmem>>[vector<16xi32>], vector<16xf32>,
      %sub3A_91 = arith.subf %gather3A_89, %gather3A_90 : vector<16xf32>
      %mul3A_92 = arith.mulf %sub3A_85, %sub3A_85 : vector<16xf32>
      %mul3A_93 = arith.mulf %sub3A_88, %sub3A_88 : vector<16xf32>
      %add3A_94 = arith.addf %mul3A_92, %mul3A_93 : vector<16xf32>
      %mul3A_95 = arith.mulf %sub3A_91, %sub3A_91 : vector<16xf32>
      %add3A_96 = arith.addf %add3A_94, %mul3A_95 : vector<16xf32>
      %swap3A_97 = arith.constant 48 : index
      %swap3A_98 = tpu.vector_load %arg21[%swap3A_97] {strides = array<i32>} : memref<64xf32, #tpu.memory_space<vmem>>, vector<16xf32>,
      tpu.vector_store %arg21[%swap3A_97], %add3A_96 {strides = array<i32>} : memref<64xf32, #tpu.memory_space<vmem>>, vector<16xf32>,
      "tpu.region"() ({
        %run_scoped3A = tpu.sem_alloc : memref<!tpu.dma_semaphore, #tpu.memory_space<semaphore_mem>>
        %dma_start3A = tpu.memref_slice %arg11[%mul3A_22] : memref<163840xf32, #tpu.memory_space<hbm>> -> memref<64xf32, #tpu.memory_space<hbm>>
        %dma_start3A_99 = tpu.memref_slice %arg11[%mul3A_22] : memref<163840xf32, #tpu.memory_space<hbm>> -> memref<64xf32, #tpu.memory_space<hbm>>
        tpu.enqueue_dma source(%arg21 : memref<64xf32, #tpu.memory_space<vmem>>) target(%dma_start3A_99 : memref<64xf32, #tpu.memory_space<hbm>>) target_semaphore(%run_scoped3A : memref<!tpu.dma_semaphore, #tpu.memory_space<semaphore_mem>>)
        %dma_wait3A = tpu.memref_slice %arg11[%mul3A_22] : memref<163840xf32, #tpu.memory_space<hbm>> -> memref<64xf32, #tpu.memory_space<hbm>>
        %dma_wait3A_100 = tpu.memref_slice %arg11[%mul3A_22] : memref<163840xf32, #tpu.memory_space<hbm>> -> memref<64xf32, #tpu.memory_space<hbm>>
        tpu.wait_dma2 semaphore(%run_scoped3A : memref<!tpu.dma_semaphore, #tpu.memory_space<semaphore_mem>>) src(%arg21 : memref<64xf32, #tpu.memory_space<vmem>>) dst(%dma_wait3A_100 : memref<64xf32, #tpu.memory_space<hbm>>)
        tpu.yield
      }) : () -> ()
    }
    %while3A_11 = arith.constant 1 : i32
    scf.for %while3A_17 = %while3A_9 to %while3A_5 step %while3A_11  : i32 {
      %mul3A_18 = arith.constant 32 : i32
      %mul3A_19 = arith.muli %while3A_17, %mul3A_18 : i32
      %add3A_20 = arith.addi %mul3A_19, %add3A : i32
      %mul3A_21 = arith.constant 64 : i32
      %mul3A_22 = arith.muli %add3A_20, %mul3A_21 : i32
      "tpu.region"() ({
        %run_scoped3A = tpu.sem_alloc : memref<!tpu.dma_semaphore, #tpu.memory_space<semaphore_mem>>
        %dma_start3A = tpu.memref_slice %arg8[%mul3A_22] : memref<160000xi32, #tpu.memory_space<hbm>> -> memref<64xi32, #tpu.memory_space<hbm>>
        %dma_start3A_99 = tpu.memref_slice %arg8[%mul3A_22] : memref<160000xi32, #tpu.memory_space<hbm>> -> memref<64xi32, #tpu.memory_space<hbm>>
        tpu.enqueue_dma source(%dma_start3A_99 : memref<64xi32, #tpu.memory_space<hbm>>) target(%arg19 : memref<64xi32, #tpu.memory_space<vmem>>) target_semaphore(%run_scoped3A : memref<!tpu.dma_semaphore, #tpu.memory_space<semaphore_mem>>)
        %dma_wait3A = tpu.memref_slice %arg8[%mul3A_22] : memref<160000xi32, #tpu.memory_space<hbm>> -> memref<64xi32, #tpu.memory_space<hbm>>
        %dma_wait3A_100 = tpu.memref_slice %arg8[%mul3A_22] : memref<160000xi32, #tpu.memory_space<hbm>> -> memref<64xi32, #tpu.memory_space<hbm>>
        tpu.wait_dma2 semaphore(%run_scoped3A : memref<!tpu.dma_semaphore, #tpu.memory_space<semaphore_mem>>) src(%dma_wait3A_100 : memref<64xi32, #tpu.memory_space<hbm>>) dst(%arg19 : memref<64xi32, #tpu.memory_space<vmem>>)
        tpu.yield
      }) : () -> ()
      "tpu.region"() ({
        %run_scoped3A = tpu.sem_alloc : memref<!tpu.dma_semaphore, #tpu.memory_space<semaphore_mem>>
        %dma_start3A = tpu.memref_slice %arg9[%mul3A_22] : memref<160000xi32, #tpu.memory_space<hbm>> -> memref<64xi32, #tpu.memory_space<hbm>>
        %dma_start3A_99 = tpu.memref_slice %arg9[%mul3A_22] : memref<160000xi32, #tpu.memory_space<hbm>> -> memref<64xi32, #tpu.memory_space<hbm>>
        tpu.enqueue_dma source(%dma_start3A_99 : memref<64xi32, #tpu.memory_space<hbm>>) target(%arg20 : memref<64xi32, #tpu.memory_space<vmem>>) target_semaphore(%run_scoped3A : memref<!tpu.dma_semaphore, #tpu.memory_space<semaphore_mem>>)
        %dma_wait3A = tpu.memref_slice %arg9[%mul3A_22] : memref<160000xi32, #tpu.memory_space<hbm>> -> memref<64xi32, #tpu.memory_space<hbm>>
        %dma_wait3A_100 = tpu.memref_slice %arg9[%mul3A_22] : memref<160000xi32, #tpu.memory_space<hbm>> -> memref<64xi32, #tpu.memory_space<hbm>>
        tpu.wait_dma2 semaphore(%run_scoped3A : memref<!tpu.dma_semaphore, #tpu.memory_space<semaphore_mem>>) src(%dma_wait3A_100 : memref<64xi32, #tpu.memory_space<hbm>>) dst(%arg20 : memref<64xi32, #tpu.memory_space<vmem>>)
        tpu.yield
      }) : () -> ()
      %get3A = arith.constant 0 : index
      %get3A_23 = tpu.vector_load %arg19[%get3A] {strides = array<i32>} : memref<64xi32, #tpu.memory_space<vmem>>, vector<16xi32>,
      %get3A_24 = arith.constant 0 : index
      %get3A_25 = tpu.vector_load %arg20[%get3A_24] {strides = array<i32>} : memref<64xi32, #tpu.memory_space<vmem>>, vector<16xi32>,
      %gather3A = tpu.vector_load_idx %arg13[%get3A_25] : memref<10240xf32, #tpu.memory_space<vmem>>[vector<16xi32>], vector<16xf32>,
      %gather3A_26 = tpu.vector_load_idx %arg13[%get3A_23] : memref<10240xf32, #tpu.memory_space<vmem>>[vector<16xi32>], vector<16xf32>,
      %sub3A = arith.subf %gather3A, %gather3A_26 : vector<16xf32>
      %gather3A_27 = tpu.vector_load_idx %arg14[%get3A_25] : memref<10240xf32, #tpu.memory_space<vmem>>[vector<16xi32>], vector<16xf32>,
      %gather3A_28 = tpu.vector_load_idx %arg14[%get3A_23] : memref<10240xf32, #tpu.memory_space<vmem>>[vector<16xi32>], vector<16xf32>,
      %sub3A_29 = arith.subf %gather3A_27, %gather3A_28 : vector<16xf32>
      %gather3A_30 = tpu.vector_load_idx %arg15[%get3A_25] : memref<10240xf32, #tpu.memory_space<vmem>>[vector<16xi32>], vector<16xf32>,
      %gather3A_31 = tpu.vector_load_idx %arg15[%get3A_23] : memref<10240xf32, #tpu.memory_space<vmem>>[vector<16xi32>], vector<16xf32>,
      %sub3A_32 = arith.subf %gather3A_30, %gather3A_31 : vector<16xf32>
      %mul3A_33 = arith.mulf %sub3A, %sub3A : vector<16xf32>
      %mul3A_34 = arith.mulf %sub3A_29, %sub3A_29 : vector<16xf32>
      %add3A_35 = arith.addf %mul3A_33, %mul3A_34 : vector<16xf32>
      %mul3A_36 = arith.mulf %sub3A_32, %sub3A_32 : vector<16xf32>
      %add3A_37 = arith.addf %add3A_35, %mul3A_36 : vector<16xf32>
      %swap3A = arith.constant 0 : index
      %swap3A_38 = tpu.vector_load %arg21[%swap3A] {strides = array<i32>} : memref<64xf32, #tpu.memory_space<vmem>>, vector<16xf32>,
      tpu.vector_store %arg21[%swap3A], %add3A_37 {strides = array<i32>} : memref<64xf32, #tpu.memory_space<vmem>>, vector<16xf32>,
      %get3A_39 = arith.constant 16 : index
      %get3A_40 = tpu.vector_load %arg19[%get3A_39] {strides = array<i32>} : memref<64xi32, #tpu.memory_space<vmem>>, vector<16xi32>,
      %get3A_41 = arith.constant 16 : index
      %get3A_42 = tpu.vector_load %arg20[%get3A_41] {strides = array<i32>} : memref<64xi32, #tpu.memory_space<vmem>>, vector<16xi32>,
      %gather3A_43 = tpu.vector_load_idx %arg13[%get3A_42] : memref<10240xf32, #tpu.memory_space<vmem>>[vector<16xi32>], vector<16xf32>,
      %gather3A_44 = tpu.vector_load_idx %arg13[%get3A_40] : memref<10240xf32, #tpu.memory_space<vmem>>[vector<16xi32>], vector<16xf32>,
      %sub3A_45 = arith.subf %gather3A_43, %gather3A_44 : vector<16xf32>
      %gather3A_46 = tpu.vector_load_idx %arg14[%get3A_42] : memref<10240xf32, #tpu.memory_space<vmem>>[vector<16xi32>], vector<16xf32>,
      %gather3A_47 = tpu.vector_load_idx %arg14[%get3A_40] : memref<10240xf32, #tpu.memory_space<vmem>>[vector<16xi32>], vector<16xf32>,
      %sub3A_48 = arith.subf %gather3A_46, %gather3A_47 : vector<16xf32>
      %gather3A_49 = tpu.vector_load_idx %arg15[%get3A_42] : memref<10240xf32, #tpu.memory_space<vmem>>[vector<16xi32>], vector<16xf32>,
      %gather3A_50 = tpu.vector_load_idx %arg15[%get3A_40] : memref<10240xf32, #tpu.memory_space<vmem>>[vector<16xi32>], vector<16xf32>,
      %sub3A_51 = arith.subf %gather3A_49, %gather3A_50 : vector<16xf32>
      %mul3A_52 = arith.mulf %sub3A_45, %sub3A_45 : vector<16xf32>
      %mul3A_53 = arith.mulf %sub3A_48, %sub3A_48 : vector<16xf32>
      %add3A_54 = arith.addf %mul3A_52, %mul3A_53 : vector<16xf32>
      %mul3A_55 = arith.mulf %sub3A_51, %sub3A_51 : vector<16xf32>
      %add3A_56 = arith.addf %add3A_54, %mul3A_55 : vector<16xf32>
      %swap3A_57 = arith.constant 16 : index
      %swap3A_58 = tpu.vector_load %arg21[%swap3A_57] {strides = array<i32>} : memref<64xf32, #tpu.memory_space<vmem>>, vector<16xf32>,
      tpu.vector_store %arg21[%swap3A_57], %add3A_56 {strides = array<i32>} : memref<64xf32, #tpu.memory_space<vmem>>, vector<16xf32>,
      %get3A_59 = arith.constant 32 : index
      %get3A_60 = tpu.vector_load %arg19[%get3A_59] {strides = array<i32>} : memref<64xi32, #tpu.memory_space<vmem>>, vector<16xi32>,
      %get3A_61 = arith.constant 32 : index
      %get3A_62 = tpu.vector_load %arg20[%get3A_61] {strides = array<i32>} : memref<64xi32, #tpu.memory_space<vmem>>, vector<16xi32>,
      %gather3A_63 = tpu.vector_load_idx %arg13[%get3A_62] : memref<10240xf32, #tpu.memory_space<vmem>>[vector<16xi32>], vector<16xf32>,
      %gather3A_64 = tpu.vector_load_idx %arg13[%get3A_60] : memref<10240xf32, #tpu.memory_space<vmem>>[vector<16xi32>], vector<16xf32>,
      %sub3A_65 = arith.subf %gather3A_63, %gather3A_64 : vector<16xf32>
      %gather3A_66 = tpu.vector_load_idx %arg14[%get3A_62] : memref<10240xf32, #tpu.memory_space<vmem>>[vector<16xi32>], vector<16xf32>,
      %gather3A_67 = tpu.vector_load_idx %arg14[%get3A_60] : memref<10240xf32, #tpu.memory_space<vmem>>[vector<16xi32>], vector<16xf32>,
      %sub3A_68 = arith.subf %gather3A_66, %gather3A_67 : vector<16xf32>
      %gather3A_69 = tpu.vector_load_idx %arg15[%get3A_62] : memref<10240xf32, #tpu.memory_space<vmem>>[vector<16xi32>], vector<16xf32>,
      %gather3A_70 = tpu.vector_load_idx %arg15[%get3A_60] : memref<10240xf32, #tpu.memory_space<vmem>>[vector<16xi32>], vector<16xf32>,
      %sub3A_71 = arith.subf %gather3A_69, %gather3A_70 : vector<16xf32>
      %mul3A_72 = arith.mulf %sub3A_65, %sub3A_65 : vector<16xf32>
      %mul3A_73 = arith.mulf %sub3A_68, %sub3A_68 : vector<16xf32>
      %add3A_74 = arith.addf %mul3A_72, %mul3A_73 : vector<16xf32>
      %mul3A_75 = arith.mulf %sub3A_71, %sub3A_71 : vector<16xf32>
      %add3A_76 = arith.addf %add3A_74, %mul3A_75 : vector<16xf32>
      %swap3A_77 = arith.constant 32 : index
      %swap3A_78 = tpu.vector_load %arg21[%swap3A_77] {strides = array<i32>} : memref<64xf32, #tpu.memory_space<vmem>>, vector<16xf32>,
      tpu.vector_store %arg21[%swap3A_77], %add3A_76 {strides = array<i32>} : memref<64xf32, #tpu.memory_space<vmem>>, vector<16xf32>,
      %get3A_79 = arith.constant 48 : index
      %get3A_80 = tpu.vector_load %arg19[%get3A_79] {strides = array<i32>} : memref<64xi32, #tpu.memory_space<vmem>>, vector<16xi32>,
      %get3A_81 = arith.constant 48 : index
      %get3A_82 = tpu.vector_load %arg20[%get3A_81] {strides = array<i32>} : memref<64xi32, #tpu.memory_space<vmem>>, vector<16xi32>,
      %gather3A_83 = tpu.vector_load_idx %arg13[%get3A_82] : memref<10240xf32, #tpu.memory_space<vmem>>[vector<16xi32>], vector<16xf32>,
      %gather3A_84 = tpu.vector_load_idx %arg13[%get3A_80] : memref<10240xf32, #tpu.memory_space<vmem>>[vector<16xi32>], vector<16xf32>,
      %sub3A_85 = arith.subf %gather3A_83, %gather3A_84 : vector<16xf32>
      %gather3A_86 = tpu.vector_load_idx %arg14[%get3A_82] : memref<10240xf32, #tpu.memory_space<vmem>>[vector<16xi32>], vector<16xf32>,
      %gather3A_87 = tpu.vector_load_idx %arg14[%get3A_80] : memref<10240xf32, #tpu.memory_space<vmem>>[vector<16xi32>], vector<16xf32>,
      %sub3A_88 = arith.subf %gather3A_86, %gather3A_87 : vector<16xf32>
      %gather3A_89 = tpu.vector_load_idx %arg15[%get3A_82] : memref<10240xf32, #tpu.memory_space<vmem>>[vector<16xi32>], vector<16xf32>,
      %gather3A_90 = tpu.vector_load_idx %arg15[%get3A_80] : memref<10240xf32, #tpu.memory_space<vmem>>[vector<16xi32>], vector<16xf32>,
      %sub3A_91 = arith.subf %gather3A_89, %gather3A_90 : vector<16xf32>
      %mul3A_92 = arith.mulf %sub3A_85, %sub3A_85 : vector<16xf32>
      %mul3A_93 = arith.mulf %sub3A_88, %sub3A_88 : vector<16xf32>
      %add3A_94 = arith.addf %mul3A_92, %mul3A_93 : vector<16xf32>
      %mul3A_95 = arith.mulf %sub3A_91, %sub3A_91 : vector<16xf32>
      %add3A_96 = arith.addf %add3A_94, %mul3A_95 : vector<16xf32>
      %swap3A_97 = arith.constant 48 : index
      %swap3A_98 = tpu.vector_load %arg21[%swap3A_97] {strides = array<i32>} : memref<64xf32, #tpu.memory_space<vmem>>, vector<16xf32>,
      tpu.vector_store %arg21[%swap3A_97], %add3A_96 {strides = array<i32>} : memref<64xf32, #tpu.memory_space<vmem>>, vector<16xf32>,
      "tpu.region"() ({
        %run_scoped3A = tpu.sem_alloc : memref<!tpu.dma_semaphore, #tpu.memory_space<semaphore_mem>>
        %dma_start3A = tpu.memref_slice %arg11[%mul3A_22] : memref<163840xf32, #tpu.memory_space<hbm>> -> memref<64xf32, #tpu.memory_space<hbm>>
        %dma_start3A_99 = tpu.memref_slice %arg11[%mul3A_22] : memref<163840xf32, #tpu.memory_space<hbm>> -> memref<64xf32, #tpu.memory_space<hbm>>
        tpu.enqueue_dma source(%arg21 : memref<64xf32, #tpu.memory_space<vmem>>) target(%dma_start3A_99 : memref<64xf32, #tpu.memory_space<hbm>>) target_semaphore(%run_scoped3A : memref<!tpu.dma_semaphore, #tpu.memory_space<semaphore_mem>>)
        %dma_wait3A = tpu.memref_slice %arg11[%mul3A_22] : memref<163840xf32, #tpu.memory_space<hbm>> -> memref<64xf32, #tpu.memory_space<hbm>>
        %dma_wait3A_100 = tpu.memref_slice %arg11[%mul3A_22] : memref<163840xf32, #tpu.memory_space<hbm>> -> memref<64xf32, #tpu.memory_space<hbm>>
        tpu.wait_dma2 semaphore(%run_scoped3A : memref<!tpu.dma_semaphore, #tpu.memory_space<semaphore_mem>>) src(%arg21 : memref<64xf32, #tpu.memory_space<vmem>>) dst(%dma_wait3A_100 : memref<64xf32, #tpu.memory_space<hbm>>)
        tpu.yield
      }) : () -> ()
    }
    %scan3A = arith.constant 0 : i32
    %scan3A_12 = arith.constant 0 : i32
    %scan3A_13 = arith.constant 5 : i32
    %scan3A_14 = arith.addi %scan3A_12, %scan3A_13 : i32
    %scan3A_15 = arith.constant 1 : i32
    scf.for %scan3A_17 = %scan3A_12 to %scan3A_14 step %scan3A_15  : i32 {
      %mul3A_18 = arith.constant 32 : i32
      %mul3A_19 = arith.muli %scan3A_17, %mul3A_18 : i32
      %add3A_20 = arith.addi %mul3A_19, %add3A : i32
      %mul3A_21 = arith.constant 64 : i32
      %mul3A_22 = arith.muli %add3A_20, %mul3A_21 : i32
      "tpu.region"() ({
        %run_scoped3A = tpu.sem_alloc : memref<!tpu.dma_semaphore, #tpu.memory_space<semaphore_mem>>
        %dma_start3A = tpu.memref_slice %arg10[%mul3A_22] : memref<10240xi32, #tpu.memory_space<hbm>> -> memref<64xi32, #tpu.memory_space<hbm>>
        %dma_start3A_127 = tpu.memref_slice %arg10[%mul3A_22] : memref<10240xi32, #tpu.memory_space<hbm>> -> memref<64xi32, #tpu.memory_space<hbm>>
        tpu.enqueue_dma source(%dma_start3A_127 : memref<64xi32, #tpu.memory_space<hbm>>) target(%arg19 : memref<64xi32, #tpu.memory_space<vmem>>) target_semaphore(%run_scoped3A : memref<!tpu.dma_semaphore, #tpu.memory_space<semaphore_mem>>)
        %dma_wait3A = tpu.memref_slice %arg10[%mul3A_22] : memref<10240xi32, #tpu.memory_space<hbm>> -> memref<64xi32, #tpu.memory_space<hbm>>
        %dma_wait3A_128 = tpu.memref_slice %arg10[%mul3A_22] : memref<10240xi32, #tpu.memory_space<hbm>> -> memref<64xi32, #tpu.memory_space<hbm>>
        tpu.wait_dma2 semaphore(%run_scoped3A : memref<!tpu.dma_semaphore, #tpu.memory_space<semaphore_mem>>) src(%dma_wait3A_128 : memref<64xi32, #tpu.memory_space<hbm>>) dst(%arg19 : memref<64xi32, #tpu.memory_space<vmem>>)
        tpu.yield
      }) : () -> ()
      %get3A = arith.constant 0 : index
      %get3A_23 = tpu.vector_load %arg19[%get3A] {strides = array<i32>} : memref<64xi32, #tpu.memory_space<vmem>>, vector<16xi32>,
      %add3A_24 = arith.constant 0 : i32
      %add3A_25 = arith.addi %mul3A_22, %add3A_24 : i32
      %get3A_26 = arith.index_cast %add3A_25 : i32 to index
      %get3A_27 = tpu.vector_load %arg13[%get3A_26] {strides = array<i32>} : memref<10240xf32, #tpu.memory_space<vmem>>, vector<16xf32>,
      %add3A_28 = arith.constant 0 : i32
      %add3A_29 = arith.addi %mul3A_22, %add3A_28 : i32
      %get3A_30 = arith.index_cast %add3A_29 : i32 to index
      %get3A_31 = tpu.vector_load %arg14[%get3A_30] {strides = array<i32>} : memref<10240xf32, #tpu.memory_space<vmem>>, vector<16xf32>,
      %add3A_32 = arith.constant 0 : i32
      %add3A_33 = arith.addi %mul3A_22, %add3A_32 : i32
      %get3A_34 = arith.index_cast %add3A_33 : i32 to index
      %get3A_35 = tpu.vector_load %arg15[%get3A_34] {strides = array<i32>} : memref<10240xf32, #tpu.memory_space<vmem>>, vector<16xf32>,
      %gather3A = tpu.vector_load_idx %arg16[%get3A_23] : memref<1024xf32, #tpu.memory_space<vmem>>[vector<16xi32>], vector<16xf32>,
      %sub3A = arith.subf %get3A_27, %gather3A : vector<16xf32>
      %gather3A_36 = tpu.vector_load_idx %arg17[%get3A_23] : memref<1024xf32, #tpu.memory_space<vmem>>[vector<16xi32>], vector<16xf32>,
      %sub3A_37 = arith.subf %get3A_31, %gather3A_36 : vector<16xf32>
      %gather3A_38 = tpu.vector_load_idx %arg18[%get3A_23] : memref<1024xf32, #tpu.memory_space<vmem>>[vector<16xi32>], vector<16xf32>,
      %sub3A_39 = arith.subf %get3A_35, %gather3A_38 : vector<16xf32>
      %mul3A_40 = arith.mulf %sub3A, %sub3A : vector<16xf32>
      %mul3A_41 = arith.mulf %sub3A_37, %sub3A_37 : vector<16xf32>
      %add3A_42 = arith.addf %mul3A_40, %mul3A_41 : vector<16xf32>
      %mul3A_43 = arith.mulf %sub3A_39, %sub3A_39 : vector<16xf32>
      %add3A_44 = arith.addf %add3A_42, %mul3A_43 : vector<16xf32>
      %swap3A = arith.constant 0 : index
      %swap3A_45 = tpu.vector_load %arg21[%swap3A] {strides = array<i32>} : memref<64xf32, #tpu.memory_space<vmem>>, vector<16xf32>,
      tpu.vector_store %arg21[%swap3A], %add3A_44 {strides = array<i32>} : memref<64xf32, #tpu.memory_space<vmem>>, vector<16xf32>,
      %get3A_46 = arith.constant 16 : index
      %get3A_47 = tpu.vector_load %arg19[%get3A_46] {strides = array<i32>} : memref<64xi32, #tpu.memory_space<vmem>>, vector<16xi32>,
      %add3A_48 = arith.constant 16 : i32
      %add3A_49 = arith.addi %mul3A_22, %add3A_48 : i32
      %get3A_50 = arith.index_cast %add3A_49 : i32 to index
      %get3A_51 = tpu.vector_load %arg13[%get3A_50] {strides = array<i32>} : memref<10240xf32, #tpu.memory_space<vmem>>, vector<16xf32>,
      %add3A_52 = arith.constant 16 : i32
      %add3A_53 = arith.addi %mul3A_22, %add3A_52 : i32
      %get3A_54 = arith.index_cast %add3A_53 : i32 to index
      %get3A_55 = tpu.vector_load %arg14[%get3A_54] {strides = array<i32>} : memref<10240xf32, #tpu.memory_space<vmem>>, vector<16xf32>,
      %add3A_56 = arith.constant 16 : i32
      %add3A_57 = arith.addi %mul3A_22, %add3A_56 : i32
      %get3A_58 = arith.index_cast %add3A_57 : i32 to index
      %get3A_59 = tpu.vector_load %arg15[%get3A_58] {strides = array<i32>} : memref<10240xf32, #tpu.memory_space<vmem>>, vector<16xf32>,
      %gather3A_60 = tpu.vector_load_idx %arg16[%get3A_47] : memref<1024xf32, #tpu.memory_space<vmem>>[vector<16xi32>], vector<16xf32>,
      %sub3A_61 = arith.subf %get3A_51, %gather3A_60 : vector<16xf32>
      %gather3A_62 = tpu.vector_load_idx %arg17[%get3A_47] : memref<1024xf32, #tpu.memory_space<vmem>>[vector<16xi32>], vector<16xf32>,
      %sub3A_63 = arith.subf %get3A_55, %gather3A_62 : vector<16xf32>
      %gather3A_64 = tpu.vector_load_idx %arg18[%get3A_47] : memref<1024xf32, #tpu.memory_space<vmem>>[vector<16xi32>], vector<16xf32>,
      %sub3A_65 = arith.subf %get3A_59, %gather3A_64 : vector<16xf32>
      %mul3A_66 = arith.mulf %sub3A_61, %sub3A_61 : vector<16xf32>
      %mul3A_67 = arith.mulf %sub3A_63, %sub3A_63 : vector<16xf32>
      %add3A_68 = arith.addf %mul3A_66, %mul3A_67 : vector<16xf32>
      %mul3A_69 = arith.mulf %sub3A_65, %sub3A_65 : vector<16xf32>
      %add3A_70 = arith.addf %add3A_68, %mul3A_69 : vector<16xf32>
      %swap3A_71 = arith.constant 16 : index
      %swap3A_72 = tpu.vector_load %arg21[%swap3A_71] {strides = array<i32>} : memref<64xf32, #tpu.memory_space<vmem>>, vector<16xf32>,
      tpu.vector_store %arg21[%swap3A_71], %add3A_70 {strides = array<i32>} : memref<64xf32, #tpu.memory_space<vmem>>, vector<16xf32>,
      %get3A_73 = arith.constant 32 : index
      %get3A_74 = tpu.vector_load %arg19[%get3A_73] {strides = array<i32>} : memref<64xi32, #tpu.memory_space<vmem>>, vector<16xi32>,
      %add3A_75 = arith.constant 32 : i32
      %add3A_76 = arith.addi %mul3A_22, %add3A_75 : i32
      %get3A_77 = arith.index_cast %add3A_76 : i32 to index
      %get3A_78 = tpu.vector_load %arg13[%get3A_77] {strides = array<i32>} : memref<10240xf32, #tpu.memory_space<vmem>>, vector<16xf32>,
      %add3A_79 = arith.constant 32 : i32
      %add3A_80 = arith.addi %mul3A_22, %add3A_79 : i32
      %get3A_81 = arith.index_cast %add3A_80 : i32 to index
      %get3A_82 = tpu.vector_load %arg14[%get3A_81] {strides = array<i32>} : memref<10240xf32, #tpu.memory_space<vmem>>, vector<16xf32>,
      %add3A_83 = arith.constant 32 : i32
      %add3A_84 = arith.addi %mul3A_22, %add3A_83 : i32
      %get3A_85 = arith.index_cast %add3A_84 : i32 to index
      %get3A_86 = tpu.vector_load %arg15[%get3A_85] {strides = array<i32>} : memref<10240xf32, #tpu.memory_space<vmem>>, vector<16xf32>,
      %gather3A_87 = tpu.vector_load_idx %arg16[%get3A_74] : memref<1024xf32, #tpu.memory_space<vmem>>[vector<16xi32>], vector<16xf32>,
      %sub3A_88 = arith.subf %get3A_78, %gather3A_87 : vector<16xf32>
      %gather3A_89 = tpu.vector_load_idx %arg17[%get3A_74] : memref<1024xf32, #tpu.memory_space<vmem>>[vector<16xi32>], vector<16xf32>,
      %sub3A_90 = arith.subf %get3A_82, %gather3A_89 : vector<16xf32>
      %gather3A_91 = tpu.vector_load_idx %arg18[%get3A_74] : memref<1024xf32, #tpu.memory_space<vmem>>[vector<16xi32>], vector<16xf32>,
      %sub3A_92 = arith.subf %get3A_86, %gather3A_91 : vector<16xf32>
      %mul3A_93 = arith.mulf %sub3A_88, %sub3A_88 : vector<16xf32>
      %mul3A_94 = arith.mulf %sub3A_90, %sub3A_90 : vector<16xf32>
      %add3A_95 = arith.addf %mul3A_93, %mul3A_94 : vector<16xf32>
      %mul3A_96 = arith.mulf %sub3A_92, %sub3A_92 : vector<16xf32>
      %add3A_97 = arith.addf %add3A_95, %mul3A_96 : vector<16xf32>
      %swap3A_98 = arith.constant 32 : index
      %swap3A_99 = tpu.vector_load %arg21[%swap3A_98] {strides = array<i32>} : memref<64xf32, #tpu.memory_space<vmem>>, vector<16xf32>,
      tpu.vector_store %arg21[%swap3A_98], %add3A_97 {strides = array<i32>} : memref<64xf32, #tpu.memory_space<vmem>>, vector<16xf32>,
      %get3A_100 = arith.constant 48 : index
      %get3A_101 = tpu.vector_load %arg19[%get3A_100] {strides = array<i32>} : memref<64xi32, #tpu.memory_space<vmem>>, vector<16xi32>,
      %add3A_102 = arith.constant 48 : i32
      %add3A_103 = arith.addi %mul3A_22, %add3A_102 : i32
      %get3A_104 = arith.index_cast %add3A_103 : i32 to index
      %get3A_105 = tpu.vector_load %arg13[%get3A_104] {strides = array<i32>} : memref<10240xf32, #tpu.memory_space<vmem>>, vector<16xf32>,
      %add3A_106 = arith.constant 48 : i32
      %add3A_107 = arith.addi %mul3A_22, %add3A_106 : i32
      %get3A_108 = arith.index_cast %add3A_107 : i32 to index
      %get3A_109 = tpu.vector_load %arg14[%get3A_108] {strides = array<i32>} : memref<10240xf32, #tpu.memory_space<vmem>>, vector<16xf32>,
      %add3A_110 = arith.constant 48 : i32
      %add3A_111 = arith.addi %mul3A_22, %add3A_110 : i32
      %get3A_112 = arith.index_cast %add3A_111 : i32 to index
      %get3A_113 = tpu.vector_load %arg15[%get3A_112] {strides = array<i32>} : memref<10240xf32, #tpu.memory_space<vmem>>, vector<16xf32>,
      %gather3A_114 = tpu.vector_load_idx %arg16[%get3A_101] : memref<1024xf32, #tpu.memory_space<vmem>>[vector<16xi32>], vector<16xf32>,
      %sub3A_115 = arith.subf %get3A_105, %gather3A_114 : vector<16xf32>
      %gather3A_116 = tpu.vector_load_idx %arg17[%get3A_101] : memref<1024xf32, #tpu.memory_space<vmem>>[vector<16xi32>], vector<16xf32>,
      %sub3A_117 = arith.subf %get3A_109, %gather3A_116 : vector<16xf32>
      %gather3A_118 = tpu.vector_load_idx %arg18[%get3A_101] : memref<1024xf32, #tpu.memory_space<vmem>>[vector<16xi32>], vector<16xf32>,
      %sub3A_119 = arith.subf %get3A_113, %gather3A_118 : vector<16xf32>
      %mul3A_120 = arith.mulf %sub3A_115, %sub3A_115 : vector<16xf32>
      %mul3A_121 = arith.mulf %sub3A_117, %sub3A_117 : vector<16xf32>
      %add3A_122 = arith.addf %mul3A_120, %mul3A_121 : vector<16xf32>
      %mul3A_123 = arith.mulf %sub3A_119, %sub3A_119 : vector<16xf32>
      %add3A_124 = arith.addf %add3A_122, %mul3A_123 : vector<16xf32>
      %swap3A_125 = arith.constant 48 : index
      %swap3A_126 = tpu.vector_load %arg21[%swap3A_125] {strides = array<i32>} : memref<64xf32, #tpu.memory_space<vmem>>, vector<16xf32>,
      tpu.vector_store %arg21[%swap3A_125], %add3A_124 {strides = array<i32>} : memref<64xf32, #tpu.memory_space<vmem>>, vector<16xf32>,
      "tpu.region"() ({
        %run_scoped3A = tpu.sem_alloc : memref<!tpu.dma_semaphore, #tpu.memory_space<semaphore_mem>>
        %dma_start3A = tpu.memref_slice %arg12[%mul3A_22] : memref<10240xf32, #tpu.memory_space<hbm>> -> memref<64xf32, #tpu.memory_space<hbm>>
        %dma_start3A_127 = tpu.memref_slice %arg12[%mul3A_22] : memref<10240xf32, #tpu.memory_space<hbm>> -> memref<64xf32, #tpu.memory_space<hbm>>
        tpu.enqueue_dma source(%arg21 : memref<64xf32, #tpu.memory_space<vmem>>) target(%dma_start3A_127 : memref<64xf32, #tpu.memory_space<hbm>>) target_semaphore(%run_scoped3A : memref<!tpu.dma_semaphore, #tpu.memory_space<semaphore_mem>>)
        %dma_wait3A = tpu.memref_slice %arg12[%mul3A_22] : memref<10240xf32, #tpu.memory_space<hbm>> -> memref<64xf32, #tpu.memory_space<hbm>>
        %dma_wait3A_128 = tpu.memref_slice %arg12[%mul3A_22] : memref<10240xf32, #tpu.memory_space<hbm>> -> memref<64xf32, #tpu.memory_space<hbm>>
        tpu.wait_dma2 semaphore(%run_scoped3A : memref<!tpu.dma_semaphore, #tpu.memory_space<semaphore_mem>>) src(%arg21 : memref<64xf32, #tpu.memory_space<vmem>>) dst(%dma_wait3A_128 : memref<64xf32, #tpu.memory_space<hbm>>)
        tpu.yield
      }) : () -> ()
    }
    %scan3A_16 = arith.constant 5 : i32
    return
  }
}

</mosaic_0001>

<sc_bundles>
// kernel: _geom_sc_call.3.cloned.1.call-start
scs
__scs_entry_jumppad:
0x0: {  	(pc) =	sbr.rel $0x88, $3  }
0x1: {  	(tag) =	ssettag $0x0;
	lr =	simm.s32 $0x1  }
0x2: {  	[smem:$0x3F9C] =	sst lr;
	_ =	strace $0xD0000000  }
0x3: {  	_ = 	snop  }
0x4: {  	_ = 	snop  }
0x5: {  	_ = 	snop  }
0x6: {  	_ = 	snop  }
0x7: {  	_ = 	snop  }
__scs_overlays_trampoline_lowered:
0x8: {  	[smem:$0x3FAB] =	sst s0  }
0x9: {  	[smem:$0x3FAC] =	sst s1  }
0xa: {  	[smem:$0x3FAD] =	sst s2  }
0xb: {  	[smem:$0x3FAE] =	sst s3  }
0xc: {  	[smem:$0x3FAF] =	sst s4  }
0xd: {  	[smem:$0x3FB0] =	sst s5  }
0xe: {  	[smem:$0x3FB1] =	sst s6  }
0xf: {  	[smem:$0x3FB2] =	sst s7  }
0x10: {  	[smem:$0x3FB3] =	sst s8  }
0x11: {  	[smem:$0x3FB4] =	sst s9;
	s0 =	simm.s32 @!p0 $0x0  }
0x12: {  	s1 =	sld [smem:$0x3F9A];
	s0 =	simm.s32 @p0 $0x1  }
0x13: {  	[smem:$0x3FB5] =	sst s0;
	s0 =	simm.s32 @!p1 $0x0  }
0x14: {  	s2 =	sld [smem:$0x3F99];
	s0 =	simm.s32 @p1 $0x1  }
0x15: {  	[smem:$0x3FB6] =	sst s0;
	s0 =	simm.s32 @!p2 $0x0  }
0x16: {  	s3 =	sld [smem:$0x3FDB];
	s0 =	simm.s32 @p2 $0x1  }
0x17: {  	s4 =	simm.s32 $0x1BF5;
	[smem:$0x3FB8] =	sst s0  }
0x18: {  	s0 =	sld [smem:$0x3F9B];
	_ =	swait.ge [sflag:s4], $0x0  }
0x19: {  	s7 =	sld [smem:$0x3F9C]  }
0x1a: {  	s8 =	sadd.s32 $0xFFFFE003, lr  }
0x1b: {  	s9 =	sadd.s32 $0xFFFFFEF7, lr;
	s5 =	simm.s32 $0xFFFFFFFF;
	p2 =	slt.u32 s8, $0xFFFFF086  }
0x1c: {  	p1 =	slt.u32 s9, $0xF7A;
	s5 =	simm.s32 @!p2 $0x0  }
0x1d: {  	s5 =	simm.s32 @p1 $0x1;
	p0 =	seq.s32 s7, s2  }
0x1e: {  	s7 =	smul.u32 @!p0 $0xF7A, s2;
	p2 =	seq.s32 @!p0 s5, $0x0  }
0x1f: {  	s9 =	smul.u32 $0xF7A, s1;
	s8 =	simm.s32 @!p0 $0x1BF5;
	p2 =	por !p2, p0  }
0x20: {  	[sflag:s8] =	ssyncset.s32 @!p0 $0xFFFFF086;
	s6 =	sadd.s32 @!p0 s3, s7;
	s7 =	simm.s32 @!p0 $0x108  }
0x21: {  	s3 =	sadd.s32 s3, s9;
	s6 =	sadd.s32 @!p0 $0x88, s6;
	s7 =	simm.s32 @p2 $0x1082  }
0x22: {  	[simem:s7], [sflag:s8] =	dma.local @!p0 [hbm:s6], $0xF7A  }
0x23: {  	s9 =	sor.u32 $0xD0000000, s2;
	s6 =	simm.s32 $0x108;
	_ =	swait.ge @!p0 [sflag:s8], $0x0  }
0x24: {  	s3 =	sadd.s32 $0x88, s3;
	s6 =	simm.s32 @!p1 $0x1082;
	[sflag:s4] =	ssyncset.s32 $0xFFFFF086  }
0x25: {  	[simem:s6], [sflag:s4] =	dma.local [hbm:s3], $0xF7A  }
0x26: {  	[smem:$0x3F9C] =	sst s1;
	(tag) =	ssettag s2;
	_ =	strace s9  }
0x27: {  	s1 =	sld [smem:$0x3FAC]  }
0x28: {  	s2 =	sld [smem:$0x3FAD]  }
0x29: {  	s4 =	sld [smem:$0x3FAF]  }
0x2a: {  	p0 =	seq.s32 s5, $0x0;
	s5 =	sld [smem:$0x3FB0]  }
0x2b: {  	s6 =	sld [smem:$0x3FB1]  }
0x2c: {  	s7 =	sld [smem:$0x3FB2]  }
0x2d: {  	s3 =	simm.s32 $0x108;
	s8 =	sld [smem:$0x3FB3]  }
0x2e: {  	s3 =	simm.s32 @!p0 $0x1082;
	s9 =	sld [smem:$0x3FB4]  }
0x2f: {  	lr =	sadd.s32 s0, s3;
	s0 =	sld [smem:$0x3FAB]  }
0x30: {  	s3 =	sld [smem:$0x3FAE]  }
0x31: {  	[smem:$0x3FB7] =	sst s10  }
0x32: {  	s10 =	sld [smem:$0x3FB5];
	_ =	sdelay $0x3  }
0x33: {  	p0 =	seq.s32 s10, $0x1;
	s10 =	sld [smem:$0x3FB7];
	_ =	sdelay $0x3  }
0x34: {  	[smem:$0x3FB7] =	sst s10  }
0x35: {  	s10 =	sld [smem:$0x3FB6];
	_ =	sdelay $0x3  }
0x36: {  	p1 =	seq.s32 s10, $0x1;
	s10 =	sld [smem:$0x3FB7];
	_ =	sdelay $0x3  }
0x37: {  	[smem:$0x3FB7] =	sst s10  }
0x38: {  	s10 =	sld [smem:$0x3FB8]  }
0x39: {  	_ = 	snop;
	(pc) =	sbr.ind lr, $3  }
0x3a: {  	_ = 	snop  }
0x3b: {  	_ = 	snop  }
0x3c: {  	p2 =	seq.s32 s10, $0x1;
	s10 =	sld [smem:$0x3FB7]  }
0x3d: {  	_ =	shalt  }
0x3e: {  	_ =	shalt  }
0x3f: {  	_ =	shalt  }
0x40: {  	_ =	shalt  }
0x41: {  	_ =	shalt  }
0x42: {  	_ =	shalt  }
0x43: {  	_ =	shalt  }
0x44: {  	_ =	shalt  }
0x45: {  	_ =	shalt  }
0x46: {  	_ =	shalt  }
0x47: {  	_ =	shalt  }
0x48: {  	_ =	shalt  }
0x49: {  	_ =	shalt  }
0x4a: {  	_ =	shalt  }
0x4b: {  	_ =	shalt  }
0x4c: {  	_ =	shalt  }
0x4d: {  	_ =	shalt  }
0x4e: {  	_ =	shalt  }
0x4f: {  	_ =	shalt  }
0x50: {  	_ =	shalt  }
0x51: {  	_ =	shalt  }
0x52: {  	_ =	shalt  }
0x53: {  	_ =	shalt  }
0x54: {  	_ =	shalt  }
0x55: {  	_ =	shalt  }
0x56: {  	_ =	shalt  }
0x57: {  	_ =	shalt  }
0x58: {  	_ =	shalt  }
0x59: {  	_ =	shalt  }
0x5a: {  	_ =	shalt  }
0x5b: {  	_ =	shalt  }
0x5c: {  	_ =	shalt  }
0x5d: {  	_ =	shalt  }
0x5e: {  	_ =	shalt  }
0x5f: {  	_ =	shalt  }
0x60: {  	_ =	shalt  }
0x61: {  	_ =	shalt  }
0x62: {  	_ =	shalt  }
0x63: {  	_ =	shalt  }
0x64: {  	_ =	shalt  }
0x65: {  	_ =	shalt  }
0x66: {  	_ =	shalt  }
0x67: {  	_ =	shalt  }
0x68: {  	_ =	shalt  }
0x69: {  	_ =	shalt  }
0x6a: {  	_ =	shalt  }
0x6b: {  	_ =	shalt  }
0x6c: {  	_ =	shalt  }
0x6d: {  	_ =	shalt  }
0x6e: {  	_ =	shalt  }
0x6f: {  	_ =	shalt  }
0x70: {  	_ =	shalt  }
0x71: {  	_ =	shalt  }
0x72: {  	_ =	shalt  }
0x73: {  	_ =	shalt  }
0x74: {  	_ =	shalt  }
0x75: {  	_ =	shalt  }
0x76: {  	_ =	shalt  }
0x77: {  	_ =	shalt  }
0x78: {  	_ =	shalt  }
0x79: {  	_ =	shalt  }
0x7a: {  	_ =	shalt  }
0x7b: {  	_ =	shalt  }
0x7c: {  	_ =	shalt  }
0x7d: {  	_ =	shalt  }
0x7e: {  	_ =	shalt  }
0x7f: {  	_ =	shalt  }
0x80: {  	_ =	shalt  }
0x81: {  	_ =	shalt  }
0x82: {  	_ =	shalt  }
0x83: {  	_ =	shalt  }
0x84: {  	_ =	shalt  }
0x85: {  	_ =	shalt  }
0x86: {  	_ =	shalt  }
0x87: {  	_ =	shalt  }
.Lfunc_end0:
.L_simem_size_0:
called_computation_lowered:
.L_overlay_start_0:
0x88: {  	s2 =	sld [smem:$0x3FD9]  }
0x89: {  	s3 =	sld [smem:$0x3FFE];
	_ =	sdelay $0x1  }
0x8a: {  	s1 =	srdreg.scid  }
0x8b: {  	s0 =	sand.u32 $0x1, s1  }
0x8c: {  	s14 =	sshll.u32 s0, $0xA;
	s2 =	sadd.s32 s3, s2  }
0x8d: {  	s2 =	sadd.s32 s2, s14  }
0x8e: {  	[smem:$0x3FC3] =	sst s2  }
0x8f: {  	_ = 	snop  }
0x90: {  	s2 =	sld [smem:$0x3FD0]  }
0x91: {  	s15 =	sld [smem:$0x3FC7]  }
0x92: {  	s4 =	sld [smem:$0x3FC6]  }
0x93: {  	s6 =	simm.s32 $0xA;
	s7 =	simm.s32 $0x10;
	s5 =	sld [smem:$0x3FC5]  }
0x94: {  	[smem:s7], [sflag:s6] =	dma.local [hbm:s2], $0x1  }
0x95: {  	_ =	swait.eq [sflag:s6], $0x1  }
0x96: {  	[sflag:s6] =	ssyncset.done $0x0  }
0x97: {  	s16 =	sld [smem:$0x10];
	[sflag:s6] =	ssyncadd.s32 $0xFFFFFFFF  }
0x98: {  	s17 =	sld [smem:$0x11];
	(tm) =	ssettm $0x1  }
0x99: {  	s18 =	sld [smem:$0x3FFB];
	_ =	sdelay $0x3  }
0x9a: {  	_ =	strace s18  }
0x9b: {  	s7 =	sld [smem:$0x3FFC];
	_ =	sdelay $0x3  }
0x9c: {  	_ =	strace s7  }
0x9d: {  	s7 =	sld [smem:$0x3FFD];
	_ =	sdelay $0x3  }
0x9e: {  	_ =	strace s7  }
0x9f: {  	_ =	strace $0x8FFFFFFF  }
0xa0: {  	s19 =	sld [smem:$0x3FDB];
	_ =	sdelay $0x1  }
0xa1: {  	s8 =	simm.s32 $_scs_section_size  }
0xa2: {  	s9 =	simm.s32 $_size__tile_overlayer_lowered;
	s10 =	simm.s32 $_tile_overlayer_lowered  }
0xa3: {  	s22 =	simm.s32 $0x1BFF;
	s21 =	sshll.u32 s10, $0x1;
	s7 =	sadd.s32 s8, s19  }
0xa4: {  	s11 =	simm.s32 $0x0;
	s20 =	sshll.u32 s9, $0x1;
	s9 =	sadd.s32 s21, s7  }
0xa5: {  	[timem:s11], [sflag:s22] =	dma.local [hbm:s9], s20  }
0xa6: {  	_ =	swait.ge [sflag:s22], s20  }
0xa7: {  	s8 =	ssub.s32 $0x0, s20;
	[sflag:s22] =	ssyncset.done $0x0  }
0xa8: {  	[sflag:s22] =	ssyncadd.s32 s8;
	_ =	sdelay $0x1  }
0xa9: {  	s23 =	simm.s32 $0x1B8B  }
0xaa: {  	_ =	swait.ge [sflag:s23], $0x1  }
0xab: {  	[sflag:s23] =	ssyncset.done $0x0  }
0xac: {  	s25 =	simm.s32 $0x1B8E;
	s24 =	sld [smem:$0x3FFE];
	[sflag:s23] =	ssyncadd.s32 $0xFFFFFFFF  }
0xad: {  	s26 =	simm.s32 $execute0_lowered;
	[smem:$0x3FD2] =	sst s25  }
0xae: {  	s9 =	sshll.u32 s26, $0x1;
	_ =	strace $0x80000046;
	[dreg:$0x1] =	wrdreg $0xFFFFFFFF  }
0xaf: {  	s28 =	simm.s32 $_size_execute0_lowered;
	s7 =	sadd.s32 s7, s9;
	[dreg:$0x0] =	wrdreg $0x0  }
0xb0: {  	s9 =	sshll.u32 s28, $0x1;
	[dreg:$0x2] =	wrdreg s7  }
0xb1: {  	[dreg:$0x3] =	wrdreg s9  }
0xb2: {  	[dreg:$0x4] =	wrdreg $0xC0  }
0xb3: {  	_ =	task [dreg:s11], $0x5FFFF  }
0xb4: {  	[dreg:$0x1] =	wrdreg $0xFFFFFFFF  }
0xb5: {  	[dreg:$0x0] =	wrdreg $0x60  }
0xb6: {  	[dreg:$0x2] =	wrdreg s24  }
0xb7: {  	[dreg:$0x3] =	wrdreg s15  }
0xb8: {  	[dreg:$0x4] =	wrdreg s4  }
0xb9: {  	[dreg:$0x5] =	wrdreg s5  }
0xba: {  	[dreg:$0x6] =	wrdreg s16  }
0xbb: {  	[dreg:$0x7] =	wrdreg s17  }
0xbc: {  	[dreg:$0x8] =	wrdreg $0x9  }
0xbd: {  	_ =	task.clear_ibuf [dreg:s11], $0x9FFFF;
	_ =	strace $0x90000046  }
0xbe: {  	s29 =	simm.s32 $0x9;
	_ =	strace $0x80000048  }
0xbf: {  	_ =	swait.ge [sflag:s29], $0x1  }
0xc0: {  	[sflag:s29] =	ssyncadd.s32 $0xFFFFFFFF  }
0xc1: {  	_ =	strace $0x90000048  }
0xc2: {  	_ =	sfence  }
0xc3: {  	s30 =	sld [smem:$0x0];
	_ =	sdelay $0x2  }
0xc4: {  	s31 =	sshll.u32 s1, $0xD;
	s1 =	sshrl.u32 s1, $0x2  }
0xc5: {  	s3 =	sand.u32 $0x4000, s31;
	s1 =	sadd.s32 s1, s30  }
0xc6: {  	s0 =	sor.u32 s3, s0;
	s1 =	sshll.u32 s1, $0x11  }
0xc7: {  	s0 =	sor.u32 s1, s0  }
0xc8: {  	s0 =	sadd.s32 $0x8F2B, s0  }
0xc9: {  	[sflag:s0] =	ssyncadd.remote.s32 $0x1  }
0xca: {  	_ =	sfence.sel $0xFFFF  }
0xcb: {  	[dreg:$0x0] =	wrdreg $0xFFFFFFFF;
	(pc) =	sbr.abs _section_cstart, $3  }
0xcc: {  	[dreg:$0x1] =	wrdreg $0xFFFFFFFF  }
0xcd: {  	_ =	task.clear_ibuf [dreg:s11], $0x2FFFF;
	_ =	strace $0x9FFFFFFF  }
0xce: {  	(tm) =	ssettm $0x7FFFFFFF  }
0xcf: {  	_ =	shalt  }
tec
execute0_lowered:
.L_overlay_start_1:
0x0: {  	(tag) =	ssettag $0x1  }
0x1: {  	s0 =	rddreg [dreg:$0x0]  }
0x2: {  	s13 =	rddreg [dreg:$0x1]  }
0x3: {  	s12 =	rddreg [dreg:$0x2]  }
0x4: {  	s15 =	rddreg [dreg:$0x3]  }
0x5: {  	s11 =	rddreg [dreg:$0x4]  }
0x6: {  	s14 =	rddreg [dreg:$0x5];
	s1 =	simm.s32 $0x0;
	s5 =	srdreg.scid  }
0x7: {  	s19 =	simm.s32 $0x7800;
	s21 =	simm.s32 $0x8000;
	[smem:$0x7FF] =	sst s1  }
0x8: {  	s2 =	sadd.s32 $0x1C00, s0;
	s3 =	sadd.s32 $0x1600, s0;
	s4 =	sadd.s32 $0x1000, s0  }
0x9: {  	s10 =	sand.u32 $0x1, s5;
	s6 =	sadd.s32 $0xE00, s0;
	s7 =	sadd.s32 $0xC00, s0  }
0xa: {  	s8 =	sadd.s32 $0xA00, s0;
	s5 =	stileid.u32;
	_ =	strace $0x80000047  }
0xb: {  	s9 =	ssub.s32 $0x2, s10;
	p0 =	slt.u32 s5, $0x2;
	s16 =	sshll.u32 s5, $0x7  }
0xc: {  	s17 =	sshll.u32 s10, $0x6;
	s29 =	sshll.u32 s5, $0x9;
	s18 =	sshll.u32 s10, $0x8  }
0xd: {  	s28 =	sshrl.u32 s9, $0x1;
	s16 =	sor.u32 s17, s16;
	s17 =	sor.u32 s18, s29  }
0xe: {  	s0 =	ssub.s32 s9, s28;
	s9 =	simm.s32 $0x4F;
	s16 =	sshrl.u32 s16, $0x3  }
0xf: {  	s20 =	sshrl.u32 s17, $0x2;
	s18 =	sor.u32 $0x80, s17;
	s17 =	sor.u32 $0xC0, s17  }
0x10: {  	s9 =	simm.s32 @!p0 $0x4E;
	s10 =	smax.u32 s0, $0x1;
	s11 =	sadd.s32 s16, s11  }
0x11: {  	s12 =	sadd.s32 s16, s12;
	s0 =	sadd.s32 s16, s13;
	s30 =	sor.u32 $0x2800, s20  }
0x12: {  	s22 =	sor.u32 $0x5000, s20;
	s14 =	sadd.s32 s16, s14;
	s15 =	sadd.s32 s16, s15  }
0x13: {  	s31 =	sshrl.u32 s18, $0x2;
	s23 =	sshrl.u32 s17, $0x2;
	s16 =	simm.s32 $0x1  }
0x14: {  	s17 =	simm.s32 $0x2800;
	s18 =	simm.s32 $0x5000;
	v0 =	vmov s20;
	s20 =	simm.s32 $0x7C00  }
0x15: {  	s25 =	sor.u32 $0x5000, s31;
	s24 =	sor.u32 $0x2800, s23;
	v1 =	vmov s30;
	v2 =	vmov s22;
	s22 =	simm.s32 $0x8400  }
0x16: {  	v3 =	vmov s23;
	s23 =	simm.s32 $0x8480;
	v4 =	vmov s24;
	s24 =	simm.s32 $0x8500;
	v5 =	vmov s25;
	s25 =	simm.s32 $0x0  }
.LBB2_1:
0x17: {  	[tilespmem:s1], [sflag:$0x1] =	stream.linear.gather [hbm4b:s2+s1], $0x2800, $0x38;
	[tilespmem:$0x8580] =	vst v63  }
0x18: {  	_ =	swait.ge [sflag:s16], $0x2800  }
0x19: {  	[sflag:s16] =	ssyncset.done $0x0  }
0x1a: {  	[sflag:s16] =	ssyncadd.s32 $0xFFFFD800  }
0x1b: {  	[tilespmem:s17], [sflag:$0x1] =	stream.linear.gather [hbm4b:s3+s1], $0x2800, $0x38;
	[tilespmem:$0x8580] =	vst v63  }
0x1c: {  	_ =	swait.ge [sflag:s16], $0x2800  }
0x1d: {  	[sflag:s16] =	ssyncset.done $0x0  }
0x1e: {  	[sflag:s16] =	ssyncadd.s32 $0xFFFFD800  }
0x1f: {  	[tilespmem:s18], [sflag:$0x1] =	stream.linear.gather [hbm4b:s4+s1], $0x2800, $0x38;
	[tilespmem:$0x8580] =	vst v63  }
0x20: {  	_ =	swait.ge [sflag:s16], $0x2800  }
0x21: {  	[sflag:s16] =	ssyncset.done $0x0  }
0x22: {  	[sflag:s16] =	ssyncadd.s32 $0xFFFFD800  }
0x23: {  	[tilespmem:s19], [sflag:$0x1] =	stream.linear.gather [hbm4b:s6+s1], $0x400, $0x38;
	[tilespmem:$0x8580] =	vst v63  }
0x24: {  	_ =	swait.ge [sflag:s16], $0x400  }
0x25: {  	[sflag:s16] =	ssyncset.done $0x0  }
0x26: {  	[sflag:s16] =	ssyncadd.s32 $0xFFFFFC00  }
0x27: {  	[tilespmem:s20], [sflag:$0x1] =	stream.linear.gather [hbm4b:s7+s1], $0x400, $0x38;
	[tilespmem:$0x8580] =	vst v63  }
0x28: {  	_ =	swait.ge [sflag:s16], $0x400  }
0x29: {  	[sflag:s16] =	ssyncset.done $0x0  }
0x2a: {  	[sflag:s16] =	ssyncadd.s32 $0xFFFFFC00  }
0x2b: {  	[tilespmem:s21], [sflag:$0x1] =	stream.linear.gather [hbm4b:s8+s1], $0x400, $0x38;
	[tilespmem:$0x8580] =	vst v63  }
0x2c: {  	_ =	swait.ge [sflag:s16], $0x400  }
0x2d: {  	[sflag:s16] =	ssyncset.done $0x0  }
0x2e: {  	[sflag:s16] =	ssyncadd.s32 $0xFFFFFC00  }
0x2f: {  	[tilespmem:s22], [sflag:$0x1] =	stream.linear.gather [hbm4b:s0+s1], $0x40, $0x38;
	[tilespmem:$0x8580] =	vst v63  }
0x30: {  	_ =	swait.ge [sflag:s16], $0x40  }
0x31: {  	[sflag:s16] =	ssyncset.done $0x0  }
0x32: {  	[sflag:s16] =	ssyncadd.s32 $0xFFFFFFC0  }
0x33: {  	[tilespmem:s23], [sflag:$0x1] =	stream.linear.gather [hbm4b:s12+s1], $0x40, $0x38;
	[tilespmem:$0x8580] =	vst v63  }
0x34: {  	_ =	swait.ge [sflag:s16], $0x40  }
0x35: {  	[sflag:s16] =	ssyncset.done $0x0  }
0x36: {  	[sflag:s16] =	ssyncadd.s32 $0xFFFFFFC0  }
0x37: {  	v6 =	vld [tilespmem:$0x8400];
	_ =	sdelay $0x1  }
0x38: {  	v7 =	vld [tilespmem:$0x8480];
	_ =	sdelay $0x5  }
0x39: {  	v8 =	vld.idx.msk [tilespmem:v6+s17+$0x0], $0xffff  }
0x3a: {  	v9 =	vld.idx.msk [tilespmem:v6+s1+$0x0], $0xffff  }
0x3b: {  	v10 =	vld.idx.msk [tilespmem:v7+s1+$0x0], $0xffff  }
0x3c: {  	v11 =	vld.idx.msk [tilespmem:v7+s17+$0x0], $0xffff  }
0x3d: {  	v6 =	vld.idx.msk [tilespmem:v6+s18+$0x0], $0xffff  }
0x3e: {  	v7 =	vld.idx.msk [tilespmem:v7+s18+$0x0], $0xffff;
	_ =	sdelay $0x2  }
0x3f: {  	v9 =	vsub.f32 v10, v9;
	v8 =	vsub.f32 v11, v8  }
0x40: {  	v10 =	vld [tilespmem:$0x8410]  }
0x41: {  	v6 =	vsub.f32 v7, v6;
	v7 =	vmul.f32 v9, v9;
	v8 =	vmul.f32 v8, v8  }
0x42: {  	v9 =	vld [tilespmem:$0x8490]  }
0x43: {  	v6 =	vmul.f32 v6, v6;
	v7 =	vadd.f32 v8, v7;
	_ =	sdelay $0x1  }
0x44: {  	v6 =	vadd.f32 v6, v7;
	_ =	sdelay $0x1  }
0x45: {  	[tilespmem:$0x8500] =	vst v6  }
0x46: {  	v6 =	vld.idx.msk [tilespmem:v10+s17+$0x0], $0xffff  }
0x47: {  	v7 =	vld.idx.msk [tilespmem:v10+s1+$0x0], $0xffff  }
0x48: {  	v8 =	vld.idx.msk [tilespmem:v9+s1+$0x0], $0xffff  }
0x49: {  	v11 =	vld.idx.msk [tilespmem:v9+s17+$0x0], $0xffff  }
0x4a: {  	v10 =	vld.idx.msk [tilespmem:v10+s18+$0x0], $0xffff  }
0x4b: {  	v9 =	vld.idx.msk [tilespmem:v9+s18+$0x0], $0xffff;
	_ =	sdelay $0x2  }
0x4c: {  	v7 =	vsub.f32 v8, v7;
	v6 =	vsub.f32 v11, v6  }
0x4d: {  	v8 =	vld [tilespmem:$0x84A0]  }
0x4e: {  	v9 =	vsub.f32 v9, v10;
	v10 =	vld [tilespmem:$0x8420];
	v7 =	vmul.f32 v7, v7;
	v6 =	vmul.f32 v6, v6;
	_ =	sdelay $0x1  }
0x4f: {  	v6 =	vadd.f32 v6, v7;
	v7 =	vmul.f32 v9, v9;
	_ =	sdelay $0x1  }
0x50: {  	v6 =	vadd.f32 v7, v6;
	_ =	sdelay $0x1  }
0x51: {  	[tilespmem:$0x8510] =	vst v6  }
0x52: {  	v6 =	vld.idx.msk [tilespmem:v8+s1+$0x0], $0xffff  }
0x53: {  	v7 =	vld.idx.msk [tilespmem:v10+s1+$0x0], $0xffff  }
0x54: {  	v9 =	vld.idx.msk [tilespmem:v10+s17+$0x0], $0xffff  }
0x55: {  	v11 =	vld.idx.msk [tilespmem:v8+s17+$0x0], $0xffff  }
0x56: {  	v8 =	vld.idx.msk [tilespmem:v8+s18+$0x0], $0xffff  }
0x57: {  	v10 =	vld.idx.msk [tilespmem:v10+s18+$0x0], $0xffff;
	_ =	sdelay $0x2  }
0x58: {  	v6 =	vsub.f32 v6, v7;
	v7 =	vsub.f32 v11, v9  }
0x59: {  	v11 =	vld [tilespmem:$0x84B0]  }
0x5a: {  	v8 =	vsub.f32 v8, v10;
	v6 =	vmul.f32 v6, v6;
	v7 =	vmul.f32 v7, v7  }
0x5b: {  	v10 =	vld [tilespmem:$0x8430]  }
0x5c: {  	v6 =	vadd.f32 v7, v6;
	v7 =	vmul.f32 v8, v8;
	_ =	sdelay $0x1  }
0x5d: {  	v6 =	vadd.f32 v7, v6;
	_ =	sdelay $0x1  }
0x5e: {  	[tilespmem:$0x8520] =	vst v6  }
0x5f: {  	p0 =	sne.s32 s9, $0x1;
	v6 =	vld.idx.msk [tilespmem:v11+s18+$0x0], $0xffff  }
.Ltmp0:
0x60: {  	v7 =	vld.idx.msk [tilespmem:v11+s1+$0x0], $0xffff;
	(pc) =	sbr.rel @!p0 .LBB2_3-.Ltmp0, $4  }
0x61: {  	v8 =	vld.idx.msk [tilespmem:v10+s18+$0x0], $0xffff  }
0x62: {  	v9 =	vld.idx.msk [tilespmem:v10+s17+$0x0], $0xffff  }
0x63: {  	s29 =	sadd.s32 $0xFFFFFFFF, s9;
	s30 =	smov.u32 s11;
	s31 =	smov.u32 s12;
	v10 =	vld.idx.msk [tilespmem:v10+s1+$0x0], $0xffff  }
0x64: {  	s13 =	smov.u32 s0;
	s28 =	smov.u32 s11;
	s26 =	simm.s32 $0x0;
	v11 =	vld.idx.msk [tilespmem:v11+s17+$0x0], $0xffff  }
.LBB2_2:
0x65: {  	_ = 	snop  }
0x66: {  	s30 =	sadd.s32 $0x100, s30;
	s31 =	sadd.s32 $0x100, s31;
	s13 =	sadd.s32 $0x100, s13  }
0x67: {  	p0 =	sne.s32 s29, $0x1;
	s29 =	sadd.s32 $0xFFFFFFFF, s29  }
0x68: {  	v6 =	vsub.f32 v6, v8;
	v7 =	vsub.f32 v7, v10  }
0x69: {  	v8 =	vsub.f32 v11, v9  }
0x6a: {  	v6 =	vmul.f32 v6, v6;
	v7 =	vmul.f32 v7, v7  }
0x6b: {  	v8 =	vmul.f32 v8, v8;
	_ =	sdelay $0x1  }
0x6c: {  	v7 =	vadd.f32 v8, v7;
	_ =	sdelay $0x1  }
0x6d: {  	v6 =	vadd.f32 v6, v7;
	_ =	sdelay $0x1  }
0x6e: {  	[tilespmem:$0x8530] =	vst v6  }
0x6f: {  	[hbm4b:s28+s26] =	stream.linear.scatter [tilespmem:s24], [sflag:$0x1], $0x40, $0x38;
	[tilespmem:$0x8580] =	vst v63  }
0x70: {  	s28 =	smov.u32 s30;
	_ =	swait.ge [sflag:s16], $0x40  }
0x71: {  	s26 =	simm.s32 $0x0;
	[sflag:s16] =	ssyncset.done $0x0  }
0x72: {  	[sflag:s16] =	ssyncadd.s32 $0xFFFFFFC0  }
0x73: {  	[tilespmem:s22], [sflag:$0x1] =	stream.linear.gather [hbm4b:s13+s26], $0x40, $0x38;
	[tilespmem:$0x8580] =	vst v63  }
0x74: {  	_ =	swait.ge [sflag:s16], $0x40  }
0x75: {  	[sflag:s16] =	ssyncset.done $0x0  }
0x76: {  	[sflag:s16] =	ssyncadd.s32 $0xFFFFFFC0  }
0x77: {  	[tilespmem:s23], [sflag:$0x1] =	stream.linear.gather [hbm4b:s31+s26], $0x40, $0x38;
	[tilespmem:$0x8580] =	vst v63  }
0x78: {  	_ =	swait.ge [sflag:s16], $0x40  }
0x79: {  	[sflag:s16] =	ssyncset.done $0x0  }
0x7a: {  	[sflag:s16] =	ssyncadd.s32 $0xFFFFFFC0  }
0x7b: {  	v6 =	vld [tilespmem:$0x8400];
	_ =	sdelay $0x1  }
0x7c: {  	v7 =	vld [tilespmem:$0x8480];
	_ =	sdelay $0x5  }
0x7d: {  	v8 =	vld.idx.msk [tilespmem:v6+s17+$0x0], $0xffff  }
0x7e: {  	v9 =	vld.idx.msk [tilespmem:v6+s26+$0x0], $0xffff  }
0x7f: {  	v10 =	vld.idx.msk [tilespmem:v7+s26+$0x0], $0xffff  }
0x80: {  	v11 =	vld.idx.msk [tilespmem:v7+s17+$0x0], $0xffff  }
0x81: {  	v6 =	vld.idx.msk [tilespmem:v6+s18+$0x0], $0xffff  }
0x82: {  	v7 =	vld.idx.msk [tilespmem:v7+s18+$0x0], $0xffff;
	_ =	sdelay $0x2  }
0x83: {  	v9 =	vsub.f32 v10, v9  }
0x84: {  	v8 =	vsub.f32 v11, v8  }
0x85: {  	v10 =	vld [tilespmem:$0x8410]  }
0x86: {  	v6 =	vsub.f32 v7, v6;
	v7 =	vmul.f32 v9, v9;
	v8 =	vmul.f32 v8, v8  }
0x87: {  	v9 =	vld [tilespmem:$0x8490]  }
0x88: {  	v7 =	vadd.f32 v8, v7;
	v6 =	vmul.f32 v6, v6;
	_ =	sdelay $0x1  }
0x89: {  	v6 =	vadd.f32 v6, v7;
	_ =	sdelay $0x1  }
0x8a: {  	[tilespmem:$0x8500] =	vst v6  }
0x8b: {  	v6 =	vld.idx.msk [tilespmem:v10+s17+$0x0], $0xffff  }
0x8c: {  	v7 =	vld.idx.msk [tilespmem:v10+s26+$0x0], $0xffff  }
0x8d: {  	v8 =	vld.idx.msk [tilespmem:v9+s26+$0x0], $0xffff  }
0x8e: {  	v11 =	vld.idx.msk [tilespmem:v9+s17+$0x0], $0xffff  }
0x8f: {  	v10 =	vld.idx.msk [tilespmem:v10+s18+$0x0], $0xffff  }
0x90: {  	v9 =	vld.idx.msk [tilespmem:v9+s18+$0x0], $0xffff;
	_ =	sdelay $0x2  }
0x91: {  	v7 =	vsub.f32 v8, v7  }
0x92: {  	v6 =	vsub.f32 v11, v6  }
0x93: {  	v8 =	vld [tilespmem:$0x84A0]  }
0x94: {  	v7 =	vmul.f32 v7, v7;
	v9 =	vsub.f32 v9, v10;
	v6 =	vmul.f32 v6, v6;
	v10 =	vld [tilespmem:$0x8420];
	_ =	sdelay $0x1  }
0x95: {  	v6 =	vadd.f32 v6, v7;
	v7 =	vmul.f32 v9, v9;
	_ =	sdelay $0x1  }
0x96: {  	v6 =	vadd.f32 v7, v6;
	_ =	sdelay $0x1  }
0x97: {  	[tilespmem:$0x8510] =	vst v6  }
0x98: {  	v6 =	vld.idx.msk [tilespmem:v8+s26+$0x0], $0xffff  }
0x99: {  	v7 =	vld.idx.msk [tilespmem:v10+s26+$0x0], $0xffff  }
0x9a: {  	v9 =	vld.idx.msk [tilespmem:v10+s17+$0x0], $0xffff  }
0x9b: {  	v11 =	vld.idx.msk [tilespmem:v8+s17+$0x0], $0xffff  }
0x9c: {  	v8 =	vld.idx.msk [tilespmem:v8+s18+$0x0], $0xffff  }
0x9d: {  	v10 =	vld.idx.msk [tilespmem:v10+s18+$0x0], $0xffff;
	_ =	sdelay $0x1  }
0x9e: {  	v6 =	vsub.f32 v6, v7;
	_ =	sdelay $0x1  }
0x9f: {  	v7 =	vsub.f32 v11, v9;
	v6 =	vmul.f32 v6, v6  }
0xa0: {  	v11 =	vld [tilespmem:$0x84B0]  }
0xa1: {  	v8 =	vsub.f32 v8, v10;
	v7 =	vmul.f32 v7, v7  }
0xa2: {  	v10 =	vld [tilespmem:$0x8430]  }
0xa3: {  	v6 =	vadd.f32 v7, v6;
	v7 =	vmul.f32 v8, v8;
	_ =	sdelay $0x1  }
0xa4: {  	v6 =	vadd.f32 v7, v6;
	_ =	sdelay $0x1  }
0xa5: {  	[tilespmem:$0x8520] =	vst v6  }
0xa6: {  	v6 =	vld.idx.msk [tilespmem:v11+s18+$0x0], $0xffff  }
.Ltmp1:
0xa7: {  	v7 =	vld.idx.msk [tilespmem:v11+s26+$0x0], $0xffff;
	(pc) =	sbr.rel @p0 .LBB2_2-.Ltmp1, $4  }
0xa8: {  	v8 =	vld.idx.msk [tilespmem:v10+s18+$0x0], $0xffff  }
0xa9: {  	v9 =	vld.idx.msk [tilespmem:v10+s17+$0x0], $0xffff  }
0xaa: {  	v10 =	vld.idx.msk [tilespmem:v10+s26+$0x0], $0xffff  }
0xab: {  	v11 =	vld.idx.msk [tilespmem:v11+s17+$0x0], $0xffff  }
.LBB2_3:
0xac: {  	_ =	sdelay $0x3  }
0xad: {  	v7 =	vsub.f32 v7, v10;
	v9 =	vsub.f32 v11, v9;
	_ =	sdelay $0x1  }
0xae: {  	v6 =	vsub.f32 v6, v8;
	v7 =	vmul.f32 v7, v7;
	v8 =	vmul.f32 v9, v9;
	_ =	sdelay $0x1  }
0xaf: {  	v6 =	vmul.f32 v6, v6;
	v7 =	vadd.f32 v8, v7;
	_ =	sdelay $0x1  }
0xb0: {  	v6 =	vadd.f32 v6, v7;
	_ =	sdelay $0x1  }
0xb1: {  	[tilespmem:$0x8530] =	vst v6  }
0xb2: {  	[hbm4b:s28+s26] =	stream.linear.scatter [tilespmem:s24], [sflag:$0x1], $0x40, $0x38;
	[tilespmem:$0x8580] =	vst v63  }
0xb3: {  	_ =	swait.ge [sflag:s16], $0x40  }
0xb4: {  	[sflag:s16] =	ssyncset.done $0x0  }
0xb5: {  	[sflag:s16] =	ssyncadd.s32 $0xFFFFFFC0  }
0xb6: {  	[tilespmem:s22], [sflag:$0x1] =	stream.linear.gather [hbm4b:s15+s1], $0x40, $0x38;
	[tilespmem:$0x8580] =	vst v63  }
0xb7: {  	_ =	swait.ge [sflag:s16], $0x40  }
0xb8: {  	[sflag:s16] =	ssyncset.done $0x0  }
0xb9: {  	[sflag:s16] =	ssyncadd.s32 $0xFFFFFFC0  }
0xba: {  	v6 =	vld [tilespmem:$0x8400];
	_ =	sdelay $0x4  }
0xbb: {  	s13 =	sshra.s32 s26, $0x2  }
0xbc: {  	v7 =	vld.idx.msk [tilespmem:v0+s13+$0x0 ss:$0x1], $0xffff  }
0xbd: {  	v8 =	vld.idx.msk [tilespmem:v1+s13+$0x0 ss:$0x1], $0xffff  }
0xbe: {  	v9 =	vld.idx.msk [tilespmem:v6+s19+$0x0], $0xffff  }
0xbf: {  	v10 =	vld.idx.msk [tilespmem:v6+s20+$0x0], $0xffff  }
0xc0: {  	v11 =	vld.idx.msk [tilespmem:v2+s13+$0x0 ss:$0x1], $0xffff  }
0xc1: {  	v6 =	vld.idx.msk [tilespmem:v6+s21+$0x0], $0xffff;
	_ =	sdelay $0x2  }
0xc2: {  	v7 =	vsub.f32 v7, v9;
	v8 =	vsub.f32 v8, v10;
	_ =	sdelay $0x1  }
0xc3: {  	v6 =	vsub.f32 v11, v6;
	v9 =	vld [tilespmem:$0x8410];
	v7 =	vmul.f32 v7, v7;
	v8 =	vmul.f32 v8, v8;
	_ =	sdelay $0x1  }
0xc4: {  	v6 =	vmul.f32 v6, v6;
	v7 =	vadd.f32 v8, v7;
	_ =	sdelay $0x1  }
0xc5: {  	v6 =	vadd.f32 v6, v7;
	_ =	sdelay $0x1  }
0xc6: {  	[tilespmem:$0x8500] =	vst v6  }
0xc7: {  	v6 =	vld.idx.msk [tilespmem:v3+s13+$0xFFFFFFE0 ss:$0x1], $0xffff  }
0xc8: {  	v7 =	vld.idx.msk [tilespmem:v9+s19+$0x0], $0xffff  }
0xc9: {  	v8 =	vld.idx.msk [tilespmem:v9+s20+$0x0], $0xffff  }
0xca: {  	v10 =	vld.idx.msk [tilespmem:v4+s13+$0xFFFFFFE0 ss:$0x1], $0xffff  }
0xcb: {  	v9 =	vld.idx.msk [tilespmem:v9+s21+$0x0], $0xffff  }
0xcc: {  	v11 =	vld.idx.msk [tilespmem:v5+s13+$0xFFFFFFF0 ss:$0x1], $0xffff;
	_ =	sdelay $0x2  }
0xcd: {  	v6 =	vsub.f32 v6, v7;
	v7 =	vsub.f32 v10, v8;
	_ =	sdelay $0x1  }
0xce: {  	v8 =	vsub.f32 v11, v9;
	v9 =	vld [tilespmem:$0x8420];
	v6 =	vmul.f32 v6, v6;
	v7 =	vmul.f32 v7, v7;
	_ =	sdelay $0x1  }
0xcf: {  	v6 =	vadd.f32 v7, v6;
	v7 =	vmul.f32 v8, v8;
	_ =	sdelay $0x1  }
0xd0: {  	v6 =	vadd.f32 v7, v6;
	_ =	sdelay $0x1  }
0xd1: {  	[tilespmem:$0x8510] =	vst v6  }
0xd2: {  	v10 =	vld.idx.msk [tilespmem:v3+s13+$0xFFFFFFF0 ss:$0x1], $0xffff  }
0xd3: {  	p0 =	sne.s32 s26, $0x8000;
	v11 =	vld.idx.msk [tilespmem:v9+s19+$0x0], $0xffff  }
.Ltmp2:
0xd4: {  	v7 =	vld.idx.msk [tilespmem:v9+s20+$0x0], $0xffff;
	(pc) =	sbr.rel @!p0 .LBB2_5-.Ltmp2, $4  }
0xd5: {  	v8 =	vld.idx.msk [tilespmem:v4+s13+$0xFFFFFFF0 ss:$0x1], $0xffff  }
0xd6: {  	v6 =	vld.idx.msk [tilespmem:v5+s13+$0x0 ss:$0x1], $0xffff  }
0xd7: {  	s29 =	smov.u32 s14;
	v9 =	vld.idx.msk [tilespmem:v9+s21+$0x0], $0xffff  }
0xd8: {  	s30 =	smov.u32 s15;
	s28 =	sadd.s32 $0x2000, s26;
	s26 =	smov.u32 s14;
	v10 =	vsub.f32 v10, v11  }
.LBB2_4:
0xd9: {  	p0 =	sne.s32 s28, $0x8000;
	s29 =	sadd.s32 $0x100, s29;
	s30 =	sadd.s32 $0x100, s30  }
0xda: {  	v7 =	vsub.f32 v8, v7;
	s31 =	smov.u32 s28;
	s28 =	sadd.s32 $0x2000, s28;
	v8 =	vmul.f32 v10, v10;
	_ =	sdelay $0x1  }
0xdb: {  	v6 =	vsub.f32 v6, v9;
	v7 =	vmul.f32 v7, v7  }
0xdc: {  	v9 =	vld [tilespmem:$0x8430]  }
0xdd: {  	v7 =	vadd.f32 v7, v8;
	v6 =	vmul.f32 v6, v6;
	_ =	sdelay $0x1  }
0xde: {  	v6 =	vadd.f32 v6, v7;
	_ =	sdelay $0x1  }
0xdf: {  	[tilespmem:$0x8520] =	vst v6  }
0xe0: {  	v6 =	vld.idx.msk [tilespmem:v3+s13+$0x0 ss:$0x1], $0xffff  }
0xe1: {  	v7 =	vld.idx.msk [tilespmem:v4+s13+$0x0 ss:$0x1], $0xffff  }
0xe2: {  	v8 =	vld.idx.msk [tilespmem:v9+s20+$0x0], $0xffff  }
0xe3: {  	v10 =	vld.idx.msk [tilespmem:v9+s19+$0x0], $0xffff  }
0xe4: {  	v11 =	vld.idx.msk [tilespmem:v5+s13+$0x10 ss:$0x1], $0xffff  }
0xe5: {  	v9 =	vld.idx.msk [tilespmem:v9+s21+$0x0], $0xffff;
	_ =	sdelay $0x2  }
0xe6: {  	v7 =	vsub.f32 v7, v8  }
0xe7: {  	v6 =	vsub.f32 v6, v10  }
0xe8: {  	v7 =	vmul.f32 v7, v7  }
0xe9: {  	v8 =	vsub.f32 v11, v9;
	v6 =	vmul.f32 v6, v6;
	_ =	sdelay $0x1  }
0xea: {  	v6 =	vadd.f32 v7, v6;
	v7 =	vmul.f32 v8, v8;
	_ =	sdelay $0x1  }
0xeb: {  	v6 =	vadd.f32 v7, v6;
	_ =	sdelay $0x1  }
0xec: {  	[tilespmem:$0x8530] =	vst v6  }
0xed: {  	[hbm4b:s26+s1] =	stream.linear.scatter [tilespmem:s24], [sflag:$0x1], $0x40, $0x38;
	[tilespmem:$0x8580] =	vst v63  }
0xee: {  	s26 =	smov.u32 s29;
	_ =	swait.ge [sflag:s16], $0x40  }
0xef: {  	[sflag:s16] =	ssyncset.done $0x0  }
0xf0: {  	[sflag:s16] =	ssyncadd.s32 $0xFFFFFFC0  }
0xf1: {  	[tilespmem:s22], [sflag:$0x1] =	stream.linear.gather [hbm4b:s30+s1], $0x40, $0x38;
	[tilespmem:$0x8580] =	vst v63  }
0xf2: {  	_ =	swait.ge [sflag:s16], $0x40  }
0xf3: {  	[sflag:s16] =	ssyncset.done $0x0  }
0xf4: {  	[sflag:s16] =	ssyncadd.s32 $0xFFFFFFC0  }
0xf5: {  	s13 =	sshra.s32 s31, $0x2;
	v6 =	vld [tilespmem:$0x8400]  }
0xf6: {  	v7 =	vld.idx.msk [tilespmem:v0+s13+$0x0 ss:$0x1], $0xffff;
	_ =	sdelay $0x4  }
0xf7: {  	v8 =	vld.idx.msk [tilespmem:v2+s13+$0x0 ss:$0x1], $0xffff  }
0xf8: {  	v9 =	vld.idx.msk [tilespmem:v1+s13+$0x0 ss:$0x1], $0xffff  }
0xf9: {  	v10 =	vld.idx.msk [tilespmem:v6+s19+$0x0], $0xffff  }
0xfa: {  	v11 =	vld.idx.msk [tilespmem:v6+s20+$0x0], $0xffff  }
0xfb: {  	v6 =	vld.idx.msk [tilespmem:v6+s21+$0x0], $0xffff;
	_ =	sdelay $0x3  }
0xfc: {  	v7 =	vsub.f32 v7, v10  }
0xfd: {  	v9 =	vsub.f32 v9, v11  }
0xfe: {  	v6 =	vsub.f32 v8, v6;
	v7 =	vmul.f32 v7, v7  }
0xff: {  	v8 =	vmul.f32 v9, v9;
	v9 =	vld [tilespmem:$0x8410];
	_ =	sdelay $0x1  }
0x100: {  	v6 =	vmul.f32 v6, v6;
	v7 =	vadd.f32 v8, v7;
	_ =	sdelay $0x1  }
0x101: {  	v6 =	vadd.f32 v6, v7;
	_ =	sdelay $0x1  }
0x102: {  	[tilespmem:$0x8500] =	vst v6  }
0x103: {  	v6 =	vld.idx.msk [tilespmem:v3+s13+$0xFFFFFFE0 ss:$0x1], $0xffff  }
0x104: {  	v7 =	vld.idx.msk [tilespmem:v9+s19+$0x0], $0xffff  }
0x105: {  	v8 =	vld.idx.msk [tilespmem:v9+s20+$0x0], $0xffff  }
0x106: {  	v10 =	vld.idx.msk [tilespmem:v4+s13+$0xFFFFFFE0 ss:$0x1], $0xffff  }
0x107: {  	v9 =	vld.idx.msk [tilespmem:v9+s21+$0x0], $0xffff  }
0x108: {  	v11 =	vld.idx.msk [tilespmem:v5+s13+$0xFFFFFFF0 ss:$0x1], $0xffff;
	_ =	sdelay $0x1  }
0x109: {  	v6 =	vsub.f32 v6, v7;
	_ =	sdelay $0x1  }
0x10a: {  	v7 =	vsub.f32 v10, v8;
	_ =	sdelay $0x1  }
0x10b: {  	v6 =	vmul.f32 v6, v6;
	v8 =	vsub.f32 v11, v9;
	v7 =	vmul.f32 v7, v7;
	v9 =	vld [tilespmem:$0x8420];
	_ =	sdelay $0x1  }
0x10c: {  	v6 =	vadd.f32 v7, v6;
	v7 =	vmul.f32 v8, v8;
	_ =	sdelay $0x1  }
0x10d: {  	v6 =	vadd.f32 v7, v6;
	_ =	sdelay $0x1  }
0x10e: {  	[tilespmem:$0x8510] =	vst v6  }
0x10f: {  	v10 =	vld.idx.msk [tilespmem:v3+s13+$0xFFFFFFF0 ss:$0x1], $0xffff  }
0x110: {  	v11 =	vld.idx.msk [tilespmem:v9+s19+$0x0], $0xffff  }
0x111: {  	v7 =	vld.idx.msk [tilespmem:v9+s20+$0x0], $0xffff  }
.Ltmp3:
0x112: {  	v8 =	vld.idx.msk [tilespmem:v4+s13+$0xFFFFFFF0 ss:$0x1], $0xffff;
	(pc) =	sbr.rel @p0 .LBB2_4-.Ltmp3, $3  }
0x113: {  	v6 =	vld.idx.msk [tilespmem:v5+s13+$0x0 ss:$0x1], $0xffff  }
0x114: {  	v9 =	vld.idx.msk [tilespmem:v9+s21+$0x0], $0xffff;
	_ =	sdelay $0x1  }
0x115: {  	v10 =	vsub.f32 v10, v11  }
.LBB2_5:
0x116: {  	_ = 	snop  }
0x117: {  	v7 =	vsub.f32 v8, v7;
	_ =	sdelay $0x1  }
0x118: {  	v59 =	vmul.f32 v10, v10;
	v6 =	vsub.f32 v6, v9;
	v7 =	vmul.f32 v7, v7  }
0x119: {  	v60 =	vld [tilespmem:$0x8430]  }
0x11a: {  	v7 =	vadd.f32 v7, v59;
	v6 =	vmul.f32 v6, v6;
	_ =	sdelay $0x1  }
0x11b: {  	v6 =	vadd.f32 v6, v7;
	_ =	sdelay $0x1  }
0x11c: {  	[tilespmem:$0x8520] =	vst v6  }
0x11d: {  	v6 =	vld.idx.msk [tilespmem:v3+s13+$0x0 ss:$0x1], $0xffff  }
0x11e: {  	v7 =	vld.idx.msk [tilespmem:v4+s13+$0x0 ss:$0x1], $0xffff  }
0x11f: {  	v61 =	vld.idx.msk [tilespmem:v60+s20+$0x0], $0xffff  }
0x120: {  	v62 =	vld.idx.msk [tilespmem:v60+s19+$0x0], $0xffff  }
0x121: {  	v11 =	vld.idx.msk [tilespmem:v5+s13+$0x10 ss:$0x1], $0xffff  }
0x122: {  	v9 =	vld.idx.msk [tilespmem:v60+s21+$0x0], $0xffff;
	_ =	sdelay $0x2  }
0x123: {  	v7 =	vsub.f32 v7, v61;
	v6 =	vsub.f32 v6, v62;
	_ =	sdelay $0x1  }
0x124: {  	v63 =	vsub.f32 v11, v9;
	v7 =	vmul.f32 v7, v7;
	v6 =	vmul.f32 v6, v6;
	_ =	sdelay $0x1  }
0x125: {  	v6 =	vadd.f32 v7, v6;
	v7 =	vmul.f32 v63, v63;
	_ =	sdelay $0x1  }
0x126: {  	s25 =	sadd.s32 $0x1, s25;
	v6 =	vadd.f32 v7, v6  }
0x127: {  	p0 =	sne.s32 s25, s10  }
.Ltmp4:
0x128: {  	[tilespmem:$0x8530] =	vst v6;
	(pc) =	sbr.rel @p0 .LBB2_1-.Ltmp4, $4  }
0x129: {  	[hbm4b:s26+s1] =	stream.linear.scatter [tilespmem:s24], [sflag:$0x1], $0x40, $0x38;
	[tilespmem:$0x8580] =	vst v63  }
0x12a: {  	_ =	swait.ge [sflag:s16], $0x40  }
0x12b: {  	[sflag:s16] =	ssyncset.done $0x0  }
0x12c: {  	[sflag:s16] =	ssyncadd.s32 $0xFFFFFFC0  }
0x12d: {  	_ =	sfence.sel $0x180000  }
0x12e: {  	[bflag:$0x0] =	sbarrier.arrive $0xFFFF  }
0x12f: {  	_ =	strace $0x90000047  }
0x130: {  	[bflag:$0x2] =	sbarrier.arrive $0xFFFF  }
0x131: {  	p0 =	sne.s32 s5, $0x0;
	s0 =	rddreg [dreg:$0x6]  }
0x132: {  	s0 =	sadd.s32 @!p0 $0x100000, s0  }
0x133: {  	[sflag:s0] =	ssyncadd.tile.s32 @!p0 $0x1;
	_ =	shalt  }
.Lfunc_end2:
_tile_overlayer_lowered:
.L_overlay_start_2:
0x134: {  	(tag) =	ssettag $0x2  }
0x135: {  	s0 =	rddreg [dreg:$0x0];
	s2 =	stileid.u32  }
0x136: {  	s1 =	rddreg [dreg:$0x1];
	p0 =	sne.s32 s2, $0x0  }
0x137: {  	s3 =	rddreg [dreg:$0x2];
	[bflag:$0x3] =	sbarrier.arrive $0xFFFF;
	s2 =	simm.s32 @!p0 $0x1C01  }
0x138: {  	[timem:s3], [sflag:s2] =	dma.local @!p0 [hbm:s0], s1  }
0x139: {  	s0 =	simm.s32 @!p0 $0x1  }
0x13a: {  	_ =	swait.ge @!p0 [sflag:s0], s1  }
0x13b: {  	s1 =	ssub.s32 @!p0 $0x0, s1;
	[sflag:s0] =	ssyncset.done @!p0 $0x0  }
0x13c: {  	[sflag:s0] =	ssyncadd.s32 @!p0 s1  }
0x13d: {  	[bflag:$0x3] =	sbarrier.arrive $0xFFFF  }
0x13e: {  	_ =	shalt  }

</sc_bundles>
